<compile_context>
chip_gen: v7x
topology: tpu7x:2x2x1
jax: 0.10.2.dev20260603
libtpu: 0.0.44.dev20260713+nightly
codegen_flags: <defaults>
</compile_context>

<pallas_src>
import functools

import jax
import jax.numpy as jnp
from jax import lax
from jax.experimental import pallas as pl
from jax.experimental.pallas import tpu as pltpu
from jax.experimental.pallas import tpu_sc as plsc

A = 46
LANES = 16
NC, NS = 2, 16
NW = NC * NS


def _sc_body(row0, rows_per_w, chunk_rows, n_chunks,
             clear_hbm, shifts_hbm, out_hbm,
             in_v0, in_v1, out_v0, out_v1, sh_v0, sh_v1,
             in_s0, in_s1, out_s0, out_s1, sh_s0, sh_s1):
    wid = lax.axis_index("s") * NC + lax.axis_index("c")
    wrow0 = row0 + wid * rows_per_w
    chunk_elems = chunk_rows * A
    vregs = chunk_elems // LANES
    iota = lax.iota(jnp.int32, LANES)
    in_v = (in_v0, in_v1)
    out_v = (out_v0, out_v1)
    sh_v = (sh_v0, sh_v1)
    in_s = (in_s0, in_s1)
    out_s = (out_s0, out_s1)
    sh_s = (sh_s0, sh_s1)

    def start_in(c, ph):
        crow = wrow0 + c * chunk_rows
        pltpu.async_copy(clear_hbm.at[pl.ds(crow, chunk_rows), :],
                         in_v[ph], in_s[ph])
        pltpu.async_copy(shifts_hbm.at[pl.ds(crow, chunk_rows)],
                         sh_v[ph], sh_s[ph])

    def wait_in(c, ph):
        crow = wrow0 + c * chunk_rows
        pltpu.make_async_copy(clear_hbm.at[pl.ds(crow, chunk_rows), :],
                              in_v[ph], in_s[ph]).wait()
        pltpu.make_async_copy(shifts_hbm.at[pl.ds(crow, chunk_rows)],
                              sh_v[ph], sh_s[ph]).wait()

    def start_out(c, ph):
        crow = wrow0 + c * chunk_rows
        pltpu.async_copy(out_v[ph],
                         out_hbm.at[pl.ds(crow - row0, chunk_rows), :],
                         out_s[ph])

    def wait_out(c, ph):
        crow = wrow0 + c * chunk_rows
        pltpu.make_async_copy(out_v[ph],
                              out_hbm.at[pl.ds(crow - row0, chunk_rows), :],
                              out_s[ph]).wait()

    def compute(ph):
        @plsc.parallel_loop(0, vregs, 1, unroll=8)
        def _(i):
            p = i * LANES + iota
            row = lax.div(p, A)
            a = p - row * A
            s = plsc.load_gather(sh_v[ph], [row])
            col = a - s
            col = jnp.where(col < 0, col + A, col)
            val = plsc.load_gather(in_v[ph], [row, col])
            plsc.store_scatter(out_v[ph], [row, a], val)

    start_in(0, 0)

    def pair_body(c2, _):
        c = 2 * c2
        start_in(c + 1, 1)
        wait_in(c, 0)

        @pl.when(c2 > 0)
        def _():
            wait_out(c - 2, 0)

        compute(0)
        start_out(c, 0)
        @pl.when(c + 2 < n_chunks)
        def _():
            start_in(c + 2, 0)

        wait_in(c + 1, 1)

        @pl.when(c2 > 0)
        def _():
            wait_out(c - 1, 1)

        compute(1)
        start_out(c + 1, 1)
        return 0

    lax.fori_loop(0, n_chunks // 2, pair_body, 0)
    wait_out(n_chunks - 2, 0)
    wait_out(n_chunks - 1, 1)


@functools.partial(jax.jit,
                   static_argnames=("row0", "rows_per_w", "chunk_rows", "n_chunks"))
def _sc_call(clear2, shifts_flat, row0, rows_per_w, chunk_rows, n_chunks):
    n_rows = rows_per_w * NW
    body = functools.partial(_sc_body, row0, rows_per_w, chunk_rows, n_chunks)
    return pl.kernel(
        body,
        out_type=jax.ShapeDtypeStruct((n_rows, A), clear2.dtype),
        mesh=plsc.VectorSubcoreMesh(core_axis_name="c", subcore_axis_name="s"),
        scratch_types=[
            pltpu.VMEM((chunk_rows, A), jnp.float32),
            pltpu.VMEM((chunk_rows, A), jnp.float32),
            pltpu.VMEM((chunk_rows, A), jnp.float32),
            pltpu.VMEM((chunk_rows, A), jnp.float32),
            pltpu.VMEM((chunk_rows,), jnp.int32),
            pltpu.VMEM((chunk_rows,), jnp.int32),
            pltpu.SemaphoreType.DMA,
            pltpu.SemaphoreType.DMA,
            pltpu.SemaphoreType.DMA,
            pltpu.SemaphoreType.DMA,
            pltpu.SemaphoreType.DMA,
            pltpu.SemaphoreType.DMA,
        ],
        compiler_params=pltpu.CompilerParams(
            needs_layout_passes=False, use_tc_tiling_on_sc=True),
    )(clear2, shifts_flat)


def kernel(clear, shifts):
    b, l, a = clear.shape
    n_rows = b * l
    clear2 = clear.reshape(n_rows, a)
    shifts_flat = shifts.reshape(-1)
    rows_per_w = n_rows // NW
    chunk_rows = 200
    out = _sc_call(clear2, shifts_flat, 0, rows_per_w, chunk_rows,
                   rows_per_w // chunk_rows)
    return out.reshape(b, l, a)

# --- scband reference (transcript-rebuilt; emitter-appended) ---
"""Pipeline reference for scband-just-shift-68315749810838 (READ-ONLY COPY).

The authoritative reference and input builder live on the scoring server;
editing this copy changes nothing except your own understanding.
"""

import jax, jax.numpy as jnp
import numpy as np

B, L, A = 4096, 200, 46

def setup_inputs(seed: int = 0) -> dict:
    key = jax.random.key(seed)
    k1, k2 = jax.random.split(key)
    clear = jax.random.normal(k1, (B, L, A), dtype=jnp.float32)
    shifts = jax.random.randint(k2, (B, L), 0, A, dtype=jnp.int32)
    return {"clear": clear, "shifts": shifts}

def reference(clear, shifts):
    # Faithful translation of justShift: roll each length-46 vector by per-position shift
    r = jnp.arange(A, dtype=jnp.int32)
    r = jnp.broadcast_to(r, clear.shape)
    s = jnp.broadcast_to(jnp.expand_dims(shifts, -1), clear.shape)
    indices = (r - s) % A
    # tf.gather(clear, indices, batch_dims=2) with indices same shape as clear along axis 2
    return jnp.take_along_axis(clear, indices, axis=2)

if __name__ == "__main__":
    import jax
    _d = setup_inputs()
    print(jax.jit(kernel)(*tuple(_d.values())))

</pallas_src>

<mosaic_0001>
#map = affine_map<(d0, d1) -> (0, 0)>
#map1 = affine_map<(d0, d1) -> (0)>
module attributes {stable_mosaic.version = 14 : i64} {
  func.func @_sc_body(%arg0: i32, %arg1: i32, %arg2: memref<819200x46xf32, #tpu.memory_space<hbm>>, %arg3: memref<819200xi32, #tpu.memory_space<hbm>>, %arg4: memref<819200x46xf32, #tpu.memory_space<hbm>>, %arg5: memref<200x46xf32, #tpu.memory_space<vmem>>, %arg6: memref<200x46xf32, #tpu.memory_space<vmem>>, %arg7: memref<200x46xf32, #tpu.memory_space<vmem>>, %arg8: memref<200x46xf32, #tpu.memory_space<vmem>>, %arg9: memref<200xi32, #tpu.memory_space<vmem>>, %arg10: memref<200xi32, #tpu.memory_space<vmem>>, %arg11: memref<!tpu.dma_semaphore, #tpu.memory_space<semaphore_mem>>, %arg12: memref<!tpu.dma_semaphore, #tpu.memory_space<semaphore_mem>>, %arg13: memref<!tpu.dma_semaphore, #tpu.memory_space<semaphore_mem>>, %arg14: memref<!tpu.dma_semaphore, #tpu.memory_space<semaphore_mem>>, %arg15: memref<!tpu.dma_semaphore, #tpu.memory_space<semaphore_mem>>, %arg16: memref<!tpu.dma_semaphore, #tpu.memory_space<semaphore_mem>>) attributes {dimension_semantics = [#tpu.dimension_semantics<core_parallel>, #tpu.dimension_semantics<subcore_parallel>], iteration_bounds = array<i64: 2, 16>, scalar_prefetch = 0 : i64, scratch_operands = 12 : i64, tpu.core_type = #tpu.core_type<sc_vector_subcore>, window_params = [{transform_indices = #map}, {transform_indices = #map1}, {transform_indices = #map}]} {
    %mul3A = arith.constant 2 : i32
    %mul3A_0 = arith.muli %arg1, %mul3A : i32
    %add3A = arith.addi %mul3A_0, %arg0 : i32
    %mul3A_1 = arith.constant 25600 : i32
    %mul3A_2 = arith.muli %add3A, %mul3A_1 : i32
    %add3A_3 = arith.constant 0 : i32
    %add3A_4 = arith.addi %add3A_3, %mul3A_2 : i32
    %iota3A = tpu.iota {dimensions = array<i32: 0>} : vector<16xi32>
    %add3A_5 = arith.constant 0 : i32
    %add3A_6 = arith.addi %add3A_4, %add3A_5 : i32
    %dma_start3A = arith.constant 0 : i32
    %dma_start3A_7 = tpu.memref_slice %arg2[%add3A_6, %dma_start3A] : memref<819200x46xf32, #tpu.memory_space<hbm>> -> memref<200x46xf32, #tpu.memory_space<hbm>>
    %dma_start3A_8 = arith.constant 0 : i32
    %dma_start3A_9 = tpu.memref_slice %arg2[%add3A_6, %dma_start3A_8] : memref<819200x46xf32, #tpu.memory_space<hbm>> -> memref<200x46xf32, #tpu.memory_space<hbm>>
    tpu.enqueue_dma source(%dma_start3A_9 : memref<200x46xf32, #tpu.memory_space<hbm>>) target(%arg5 : memref<200x46xf32, #tpu.memory_space<vmem>>) target_semaphore(%arg11 : memref<!tpu.dma_semaphore, #tpu.memory_space<semaphore_mem>>)
    %dma_start3A_10 = tpu.memref_slice %arg3[%add3A_6] : memref<819200xi32, #tpu.memory_space<hbm>> -> memref<200xi32, #tpu.memory_space<hbm>>
    %dma_start3A_11 = tpu.memref_slice %arg3[%add3A_6] : memref<819200xi32, #tpu.memory_space<hbm>> -> memref<200xi32, #tpu.memory_space<hbm>>
    tpu.enqueue_dma source(%dma_start3A_11 : memref<200xi32, #tpu.memory_space<hbm>>) target(%arg9 : memref<200xi32, #tpu.memory_space<vmem>>) target_semaphore(%arg15 : memref<!tpu.dma_semaphore, #tpu.memory_space<semaphore_mem>>)
    %scan3A = arith.constant 0 : i32
    %scan3A_12 = arith.constant 0 : i32
    %scan3A_13 = arith.constant 64 : i32
    %scan3A_14 = arith.addi %scan3A_12, %scan3A_13 : i32
    %scan3A_15 = arith.constant 1 : i32
    %scan3A_16 = scf.for %scan3A_32 = %scan3A_12 to %scan3A_14 step %scan3A_15 iter_args(%scan3A_33 = %scan3A) -> (i32)  : i32 {
      %mul3A_34 = arith.constant 2 : i32
      %mul3A_35 = arith.muli %mul3A_34, %scan3A_32 : i32
      %add3A_36 = arith.constant 1 : i32
      %add3A_37 = arith.addi %mul3A_35, %add3A_36 : i32
      %mul3A_38 = arith.constant 200 : i32
      %mul3A_39 = arith.muli %add3A_37, %mul3A_38 : i32
      %add3A_40 = arith.addi %add3A_4, %mul3A_39 : i32
      %dma_start3A_41 = arith.constant 0 : i32
      %dma_start3A_42 = tpu.memref_slice %arg2[%add3A_40, %dma_start3A_41] : memref<819200x46xf32, #tpu.memory_space<hbm>> -> memref<200x46xf32, #tpu.memory_space<hbm>>
      %dma_start3A_43 = arith.constant 0 : i32
      %dma_start3A_44 = tpu.memref_slice %arg2[%add3A_40, %dma_start3A_43] : memref<819200x46xf32, #tpu.memory_space<hbm>> -> memref<200x46xf32, #tpu.memory_space<hbm>>
      tpu.enqueue_dma source(%dma_start3A_44 : memref<200x46xf32, #tpu.memory_space<hbm>>) target(%arg6 : memref<200x46xf32, #tpu.memory_space<vmem>>) target_semaphore(%arg12 : memref<!tpu.dma_semaphore, #tpu.memory_space<semaphore_mem>>)
      %dma_start3A_45 = tpu.memref_slice %arg3[%add3A_40] : memref<819200xi32, #tpu.memory_space<hbm>> -> memref<200xi32, #tpu.memory_space<hbm>>
      %dma_start3A_46 = tpu.memref_slice %arg3[%add3A_40] : memref<819200xi32, #tpu.memory_space<hbm>> -> memref<200xi32, #tpu.memory_space<hbm>>
      tpu.enqueue_dma source(%dma_start3A_46 : memref<200xi32, #tpu.memory_space<hbm>>) target(%arg10 : memref<200xi32, #tpu.memory_space<vmem>>) target_semaphore(%arg16 : memref<!tpu.dma_semaphore, #tpu.memory_space<semaphore_mem>>)
      %mul3A_47 = arith.constant 200 : i32
      %mul3A_48 = arith.muli %mul3A_35, %mul3A_47 : i32
      %add3A_49 = arith.addi %add3A_4, %mul3A_48 : i32
      %dma_wait3A_50 = arith.constant 0 : i32
      %dma_wait3A_51 = tpu.memref_slice %arg2[%add3A_49, %dma_wait3A_50] : memref<819200x46xf32, #tpu.memory_space<hbm>> -> memref<200x46xf32, #tpu.memory_space<hbm>>
      %dma_wait3A_52 = arith.constant 0 : i32
      %dma_wait3A_53 = tpu.memref_slice %arg2[%add3A_49, %dma_wait3A_52] : memref<819200x46xf32, #tpu.memory_space<hbm>> -> memref<200x46xf32, #tpu.memory_space<hbm>>
      tpu.wait_dma2 semaphore(%arg11 : memref<!tpu.dma_semaphore, #tpu.memory_space<semaphore_mem>>) src(%dma_wait3A_53 : memref<200x46xf32, #tpu.memory_space<hbm>>) dst(%arg5 : memref<200x46xf32, #tpu.memory_space<vmem>>)
      %dma_wait3A_54 = tpu.memref_slice %arg3[%add3A_49] : memref<819200xi32, #tpu.memory_space<hbm>> -> memref<200xi32, #tpu.memory_space<hbm>>
      %dma_wait3A_55 = tpu.memref_slice %arg3[%add3A_49] : memref<819200xi32, #tpu.memory_space<hbm>> -> memref<200xi32, #tpu.memory_space<hbm>>
      tpu.wait_dma2 semaphore(%arg15 : memref<!tpu.dma_semaphore, #tpu.memory_space<semaphore_mem>>) src(%dma_wait3A_55 : memref<200xi32, #tpu.memory_space<hbm>>) dst(%arg9 : memref<200xi32, #tpu.memory_space<vmem>>)
      %gt3A = arith.constant 0 : i32
      %gt3A_56 = arith.cmpi sgt, %scan3A_32, %gt3A : i32
      %convert_element_type3A = arith.extui %gt3A_56 : i1 to i32
      %cond3A = arith.constant 0 : i32
      %cond3A_57 = arith.cmpi ne, %convert_element_type3A, %cond3A : i32
      scf.if %cond3A_57 {
        %sub3A_106 = arith.constant 2 : i32
        %sub3A_107 = arith.subi %mul3A_35, %sub3A_106 : i32
        %mul3A_108 = arith.constant 200 : i32
        %mul3A_109 = arith.muli %sub3A_107, %mul3A_108 : i32
        %add3A_110 = arith.addi %add3A_4, %mul3A_109 : i32
        %sub3A_111 = arith.constant 0 : i32
        %sub3A_112 = arith.subi %add3A_110, %sub3A_111 : i32
        %dma_wait3A_113 = arith.constant 0 : i32
        %dma_wait3A_114 = tpu.memref_slice %arg4[%sub3A_112, %dma_wait3A_113] : memref<819200x46xf32, #tpu.memory_space<hbm>> -> memref<200x46xf32, #tpu.memory_space<hbm>>
        %dma_wait3A_115 = arith.constant 0 : i32
        %dma_wait3A_116 = tpu.memref_slice %arg4[%sub3A_112, %dma_wait3A_115] : memref<819200x46xf32, #tpu.memory_space<hbm>> -> memref<200x46xf32, #tpu.memory_space<hbm>>
        tpu.wait_dma2 semaphore(%arg13 : memref<!tpu.dma_semaphore, #tpu.memory_space<semaphore_mem>>) src(%arg7 : memref<200x46xf32, #tpu.memory_space<vmem>>) dst(%dma_wait3A_116 : memref<200x46xf32, #tpu.memory_space<hbm>>)
      } else {
      }
      %parallel_loop3A = arith.constant 0 : i32
      %parallel_loop3A_58 = arith.constant 575 : i32
      %parallel_loop3A_59 = arith.constant 1 : i32
      scf.for %parallel_loop3A_106 = %parallel_loop3A to %parallel_loop3A_58 step %parallel_loop3A_59  : i32 {
        %parallel_loop3A_107 = arith.constant 16 : i32
        %parallel_loop3A_108 = arith.muli %parallel_loop3A_106, %parallel_loop3A_107 : i32
        %parallel_loop3A_109 = vector.broadcast %parallel_loop3A_108 : i32 to vector<16xi32>
        %parallel_loop3A_110 = arith.addi %parallel_loop3A_109, %iota3A : vector<16xi32>
        %parallel_loop3A_111 = arith.constant 46 : i32
        %parallel_loop3A_112 = vector.broadcast %parallel_loop3A_111 : i32 to vector<16xi32>
        %parallel_loop3A_113 = arith.divsi %parallel_loop3A_110, %parallel_loop3A_112 : vector<16xi32>
        %parallel_loop3A_114 = arith.constant 46 : i32
        %parallel_loop3A_115 = vector.broadcast %parallel_loop3A_114 : i32 to vector<16xi32>
        %parallel_loop3A_116 = arith.muli %parallel_loop3A_113, %parallel_loop3A_115 : vector<16xi32>
        %parallel_loop3A_117 = arith.subi %parallel_loop3A_110, %parallel_loop3A_116 : vector<16xi32>
        %parallel_loop3A_118 = tpu.vector_load_idx %arg9[%parallel_loop3A_113] : memref<200xi32, #tpu.memory_space<vmem>>[vector<16xi32>], vector<16xi32>,
        %parallel_loop3A_119 = arith.subi %parallel_loop3A_117, %parallel_loop3A_118 : vector<16xi32>
        %parallel_loop3A_120 = arith.constant 0 : i32
        %parallel_loop3A_121 = vector.broadcast %parallel_loop3A_120 : i32 to vector<16xi32>
        %parallel_loop3A_122 = arith.cmpi slt, %parallel_loop3A_119, %parallel_loop3A_121 : vector<16xi32>
        %parallel_loop3A_123 = arith.constant 46 : i32
        %parallel_loop3A_124 = vector.broadcast %parallel_loop3A_123 : i32 to vector<16xi32>
        %parallel_loop3A_125 = arith.addi %parallel_loop3A_119, %parallel_loop3A_124 : vector<16xi32>
        %parallel_loop3A_126 = arith.select %parallel_loop3A_122, %parallel_loop3A_125, %parallel_loop3A_119 : vector<16xi1>, vector<16xi32>
        %parallel_loop3A_127 = tpu.vector_load_idx %arg5[%parallel_loop3A_113, %parallel_loop3A_126] : memref<200x46xf32, #tpu.memory_space<vmem>>[vector<16xi32>, vector<16xi32>], vector<16xf32>,
        tpu.vector_store_idx %arg7[%parallel_loop3A_113, %parallel_loop3A_117], %parallel_loop3A_127 : memref<200x46xf32, #tpu.memory_space<vmem>>[vector<16xi32>, vector<16xi32>], vector<16xf32>,
      } {sc.loop_unroll_factor = 8 : i64, sc.parallel_access}
      %mul3A_60 = arith.constant 200 : i32
      %mul3A_61 = arith.muli %mul3A_35, %mul3A_60 : i32
      %add3A_62 = arith.addi %add3A_4, %mul3A_61 : i32
      %sub3A_63 = arith.constant 0 : i32
      %sub3A_64 = arith.subi %add3A_62, %sub3A_63 : i32
      %dma_start3A_65 = arith.constant 0 : i32
      %dma_start3A_66 = tpu.memref_slice %arg4[%sub3A_64, %dma_start3A_65] : memref<819200x46xf32, #tpu.memory_space<hbm>> -> memref<200x46xf32, #tpu.memory_space<hbm>>
      %dma_start3A_67 = arith.constant 0 : i32
      %dma_start3A_68 = tpu.memref_slice %arg4[%sub3A_64, %dma_start3A_67] : memref<819200x46xf32, #tpu.memory_space<hbm>> -> memref<200x46xf32, #tpu.memory_space<hbm>>
      tpu.enqueue_dma source(%arg7 : memref<200x46xf32, #tpu.memory_space<vmem>>) target(%dma_start3A_68 : memref<200x46xf32, #tpu.memory_space<hbm>>) target_semaphore(%arg13 : memref<!tpu.dma_semaphore, #tpu.memory_space<semaphore_mem>>)
      %add3A_69 = arith.constant 2 : i32
      %add3A_70 = arith.addi %mul3A_35, %add3A_69 : i32
      %lt3A = arith.constant 128 : i32
      %lt3A_71 = arith.cmpi slt, %add3A_70, %lt3A : i32
      %convert_element_type3A_72 = arith.extui %lt3A_71 : i1 to i32
      %cond3A_73 = arith.constant 0 : i32
      %cond3A_74 = arith.cmpi ne, %convert_element_type3A_72, %cond3A_73 : i32
      scf.if %cond3A_74 {
        %add3A_106 = arith.constant 2 : i32
        %add3A_107 = arith.addi %mul3A_35, %add3A_106 : i32
        %mul3A_108 = arith.constant 200 : i32
        %mul3A_109 = arith.muli %add3A_107, %mul3A_108 : i32
        %add3A_110 = arith.addi %add3A_4, %mul3A_109 : i32
        %dma_start3A_111 = arith.constant 0 : i32
        %dma_start3A_112 = tpu.memref_slice %arg2[%add3A_110, %dma_start3A_111] : memref<819200x46xf32, #tpu.memory_space<hbm>> -> memref<200x46xf32, #tpu.memory_space<hbm>>
        %dma_start3A_113 = arith.constant 0 : i32
        %dma_start3A_114 = tpu.memref_slice %arg2[%add3A_110, %dma_start3A_113] : memref<819200x46xf32, #tpu.memory_space<hbm>> -> memref<200x46xf32, #tpu.memory_space<hbm>>
        tpu.enqueue_dma source(%dma_start3A_114 : memref<200x46xf32, #tpu.memory_space<hbm>>) target(%arg5 : memref<200x46xf32, #tpu.memory_space<vmem>>) target_semaphore(%arg11 : memref<!tpu.dma_semaphore, #tpu.memory_space<semaphore_mem>>)
        %dma_start3A_115 = tpu.memref_slice %arg3[%add3A_110] : memref<819200xi32, #tpu.memory_space<hbm>> -> memref<200xi32, #tpu.memory_space<hbm>>
        %dma_start3A_116 = tpu.memref_slice %arg3[%add3A_110] : memref<819200xi32, #tpu.memory_space<hbm>> -> memref<200xi32, #tpu.memory_space<hbm>>
        tpu.enqueue_dma source(%dma_start3A_116 : memref<200xi32, #tpu.memory_space<hbm>>) target(%arg9 : memref<200xi32, #tpu.memory_space<vmem>>) target_semaphore(%arg15 : memref<!tpu.dma_semaphore, #tpu.memory_space<semaphore_mem>>)
      } else {
      }
      %add3A_75 = arith.constant 1 : i32
      %add3A_76 = arith.addi %mul3A_35, %add3A_75 : i32
      %mul3A_77 = arith.constant 200 : i32
      %mul3A_78 = arith.muli %add3A_76, %mul3A_77 : i32
      %add3A_79 = arith.addi %add3A_4, %mul3A_78 : i32
      %dma_wait3A_80 = arith.constant 0 : i32
      %dma_wait3A_81 = tpu.memref_slice %arg2[%add3A_79, %dma_wait3A_80] : memref<819200x46xf32, #tpu.memory_space<hbm>> -> memref<200x46xf32, #tpu.memory_space<hbm>>
      %dma_wait3A_82 = arith.constant 0 : i32
      %dma_wait3A_83 = tpu.memref_slice %arg2[%add3A_79, %dma_wait3A_82] : memref<819200x46xf32, #tpu.memory_space<hbm>> -> memref<200x46xf32, #tpu.memory_space<hbm>>
      tpu.wait_dma2 semaphore(%arg12 : memref<!tpu.dma_semaphore, #tpu.memory_space<semaphore_mem>>) src(%dma_wait3A_83 : memref<200x46xf32, #tpu.memory_space<hbm>>) dst(%arg6 : memref<200x46xf32, #tpu.memory_space<vmem>>)
      %dma_wait3A_84 = tpu.memref_slice %arg3[%add3A_79] : memref<819200xi32, #tpu.memory_space<hbm>> -> memref<200xi32, #tpu.memory_space<hbm>>
      %dma_wait3A_85 = tpu.memref_slice %arg3[%add3A_79] : memref<819200xi32, #tpu.memory_space<hbm>> -> memref<200xi32, #tpu.memory_space<hbm>>
      tpu.wait_dma2 semaphore(%arg16 : memref<!tpu.dma_semaphore, #tpu.memory_space<semaphore_mem>>) src(%dma_wait3A_85 : memref<200xi32, #tpu.memory_space<hbm>>) dst(%arg10 : memref<200xi32, #tpu.memory_space<vmem>>)
      %gt3A_86 = arith.constant 0 : i32
      %gt3A_87 = arith.cmpi sgt, %scan3A_32, %gt3A_86 : i32
      %convert_element_type3A_88 = arith.extui %gt3A_87 : i1 to i32
      %cond3A_89 = arith.constant 0 : i32
      %cond3A_90 = arith.cmpi ne, %convert_element_type3A_88, %cond3A_89 : i32
      scf.if %cond3A_90 {
        %sub3A_106 = arith.constant 1 : i32
        %sub3A_107 = arith.subi %mul3A_35, %sub3A_106 : i32
        %mul3A_108 = arith.constant 200 : i32
        %mul3A_109 = arith.muli %sub3A_107, %mul3A_108 : i32
        %add3A_110 = arith.addi %add3A_4, %mul3A_109 : i32
        %sub3A_111 = arith.constant 0 : i32
        %sub3A_112 = arith.subi %add3A_110, %sub3A_111 : i32
        %dma_wait3A_113 = arith.constant 0 : i32
        %dma_wait3A_114 = tpu.memref_slice %arg4[%sub3A_112, %dma_wait3A_113] : memref<819200x46xf32, #tpu.memory_space<hbm>> -> memref<200x46xf32, #tpu.memory_space<hbm>>
        %dma_wait3A_115 = arith.constant 0 : i32
        %dma_wait3A_116 = tpu.memref_slice %arg4[%sub3A_112, %dma_wait3A_115] : memref<819200x46xf32, #tpu.memory_space<hbm>> -> memref<200x46xf32, #tpu.memory_space<hbm>>
        tpu.wait_dma2 semaphore(%arg14 : memref<!tpu.dma_semaphore, #tpu.memory_space<semaphore_mem>>) src(%arg8 : memref<200x46xf32, #tpu.memory_space<vmem>>) dst(%dma_wait3A_116 : memref<200x46xf32, #tpu.memory_space<hbm>>)
      } else {
      }
      %parallel_loop3A_91 = arith.constant 0 : i32
      %parallel_loop3A_92 = arith.constant 575 : i32
      %parallel_loop3A_93 = arith.constant 1 : i32
      scf.for %parallel_loop3A_106 = %parallel_loop3A_91 to %parallel_loop3A_92 step %parallel_loop3A_93  : i32 {
        %parallel_loop3A_107 = arith.constant 16 : i32
        %parallel_loop3A_108 = arith.muli %parallel_loop3A_106, %parallel_loop3A_107 : i32
        %parallel_loop3A_109 = vector.broadcast %parallel_loop3A_108 : i32 to vector<16xi32>
        %parallel_loop3A_110 = arith.addi %parallel_loop3A_109, %iota3A : vector<16xi32>
        %parallel_loop3A_111 = arith.constant 46 : i32
        %parallel_loop3A_112 = vector.broadcast %parallel_loop3A_111 : i32 to vector<16xi32>
        %parallel_loop3A_113 = arith.divsi %parallel_loop3A_110, %parallel_loop3A_112 : vector<16xi32>
        %parallel_loop3A_114 = arith.constant 46 : i32
        %parallel_loop3A_115 = vector.broadcast %parallel_loop3A_114 : i32 to vector<16xi32>
        %parallel_loop3A_116 = arith.muli %parallel_loop3A_113, %parallel_loop3A_115 : vector<16xi32>
        %parallel_loop3A_117 = arith.subi %parallel_loop3A_110, %parallel_loop3A_116 : vector<16xi32>
        %parallel_loop3A_118 = tpu.vector_load_idx %arg10[%parallel_loop3A_113] : memref<200xi32, #tpu.memory_space<vmem>>[vector<16xi32>], vector<16xi32>,
        %parallel_loop3A_119 = arith.subi %parallel_loop3A_117, %parallel_loop3A_118 : vector<16xi32>
        %parallel_loop3A_120 = arith.constant 0 : i32
        %parallel_loop3A_121 = vector.broadcast %parallel_loop3A_120 : i32 to vector<16xi32>
        %parallel_loop3A_122 = arith.cmpi slt, %parallel_loop3A_119, %parallel_loop3A_121 : vector<16xi32>
        %parallel_loop3A_123 = arith.constant 46 : i32
        %parallel_loop3A_124 = vector.broadcast %parallel_loop3A_123 : i32 to vector<16xi32>
        %parallel_loop3A_125 = arith.addi %parallel_loop3A_119, %parallel_loop3A_124 : vector<16xi32>
        %parallel_loop3A_126 = arith.select %parallel_loop3A_122, %parallel_loop3A_125, %parallel_loop3A_119 : vector<16xi1>, vector<16xi32>
        %parallel_loop3A_127 = tpu.vector_load_idx %arg6[%parallel_loop3A_113, %parallel_loop3A_126] : memref<200x46xf32, #tpu.memory_space<vmem>>[vector<16xi32>, vector<16xi32>], vector<16xf32>,
        tpu.vector_store_idx %arg8[%parallel_loop3A_113, %parallel_loop3A_117], %parallel_loop3A_127 : memref<200x46xf32, #tpu.memory_space<vmem>>[vector<16xi32>, vector<16xi32>], vector<16xf32>,
      } {sc.loop_unroll_factor = 8 : i64, sc.parallel_access}
      %add3A_94 = arith.constant 1 : i32
      %add3A_95 = arith.addi %mul3A_35, %add3A_94 : i32
      %mul3A_96 = arith.constant 200 : i32
      %mul3A_97 = arith.muli %add3A_95, %mul3A_96 : i32
      %add3A_98 = arith.addi %add3A_4, %mul3A_97 : i32
      %sub3A_99 = arith.constant 0 : i32
      %sub3A_100 = arith.subi %add3A_98, %sub3A_99 : i32
      %dma_start3A_101 = arith.constant 0 : i32
      %dma_start3A_102 = tpu.memref_slice %arg4[%sub3A_100, %dma_start3A_101] : memref<819200x46xf32, #tpu.memory_space<hbm>> -> memref<200x46xf32, #tpu.memory_space<hbm>>
      %dma_start3A_103 = arith.constant 0 : i32
      %dma_start3A_104 = tpu.memref_slice %arg4[%sub3A_100, %dma_start3A_103] : memref<819200x46xf32, #tpu.memory_space<hbm>> -> memref<200x46xf32, #tpu.memory_space<hbm>>
      tpu.enqueue_dma source(%arg8 : memref<200x46xf32, #tpu.memory_space<vmem>>) target(%dma_start3A_104 : memref<200x46xf32, #tpu.memory_space<hbm>>) target_semaphore(%arg14 : memref<!tpu.dma_semaphore, #tpu.memory_space<semaphore_mem>>)
      %scan3A_105 = arith.constant 0 : i32
      scf.yield %scan3A_105 : i32
    }
    %scan3A_17 = arith.constant 64 : i32
    %add3A_18 = arith.constant 25200 : i32
    %add3A_19 = arith.addi %add3A_4, %add3A_18 : i32
    %sub3A = arith.constant 0 : i32
    %sub3A_20 = arith.subi %add3A_19, %sub3A : i32
    %dma_wait3A = arith.constant 0 : i32
    %dma_wait3A_21 = tpu.memref_slice %arg4[%sub3A_20, %dma_wait3A] : memref<819200x46xf32, #tpu.memory_space<hbm>> -> memref<200x46xf32, #tpu.memory_space<hbm>>
    %dma_wait3A_22 = arith.constant 0 : i32
    %dma_wait3A_23 = tpu.memref_slice %arg4[%sub3A_20, %dma_wait3A_22] : memref<819200x46xf32, #tpu.memory_space<hbm>> -> memref<200x46xf32, #tpu.memory_space<hbm>>
    tpu.wait_dma2 semaphore(%arg13 : memref<!tpu.dma_semaphore, #tpu.memory_space<semaphore_mem>>) src(%arg7 : memref<200x46xf32, #tpu.memory_space<vmem>>) dst(%dma_wait3A_23 : memref<200x46xf32, #tpu.memory_space<hbm>>)
    %add3A_24 = arith.constant 25400 : i32
    %add3A_25 = arith.addi %add3A_4, %add3A_24 : i32
    %sub3A_26 = arith.constant 0 : i32
    %sub3A_27 = arith.subi %add3A_25, %sub3A_26 : i32
    %dma_wait3A_28 = arith.constant 0 : i32
    %dma_wait3A_29 = tpu.memref_slice %arg4[%sub3A_27, %dma_wait3A_28] : memref<819200x46xf32, #tpu.memory_space<hbm>> -> memref<200x46xf32, #tpu.memory_space<hbm>>
    %dma_wait3A_30 = arith.constant 0 : i32
    %dma_wait3A_31 = tpu.memref_slice %arg4[%sub3A_27, %dma_wait3A_30] : memref<819200x46xf32, #tpu.memory_space<hbm>> -> memref<200x46xf32, #tpu.memory_space<hbm>>
    tpu.wait_dma2 semaphore(%arg14 : memref<!tpu.dma_semaphore, #tpu.memory_space<semaphore_mem>>) src(%arg8 : memref<200x46xf32, #tpu.memory_space<vmem>>) dst(%dma_wait3A_31 : memref<200x46xf32, #tpu.memory_space<hbm>>)
    return
  }
}

</mosaic_0001>

<sc_bundles>
// kernel: _sc_call.3.cloned.1.call-start
scs
__scs_entry_jumppad:
0x0: {  	(pc) =	sbr.rel $0x88, $3  }
0x1: {  	(tag) =	ssettag $0x0;
	lr =	simm.s32 $0x1  }
0x2: {  	[smem:$0x3F9F] =	sst lr;
	_ =	strace $0xD0000000  }
0x3: {  	_ = 	snop  }
0x4: {  	_ = 	snop  }
0x5: {  	_ = 	snop  }
0x6: {  	_ = 	snop  }
0x7: {  	_ = 	snop  }
__scs_overlays_trampoline_lowered:
0x8: {  	[smem:$0x3FAE] =	sst s0  }
0x9: {  	[smem:$0x3FAF] =	sst s1  }
0xa: {  	[smem:$0x3FB0] =	sst s2  }
0xb: {  	[smem:$0x3FB1] =	sst s3  }
0xc: {  	[smem:$0x3FB2] =	sst s4  }
0xd: {  	[smem:$0x3FB3] =	sst s5  }
0xe: {  	[smem:$0x3FB4] =	sst s6  }
0xf: {  	[smem:$0x3FB5] =	sst s7  }
0x10: {  	[smem:$0x3FB6] =	sst s8  }
0x11: {  	[smem:$0x3FB7] =	sst s9;
	s0 =	simm.s32 @!p0 $0x0  }
0x12: {  	s1 =	sld [smem:$0x3F9D];
	s0 =	simm.s32 @p0 $0x1  }
0x13: {  	[smem:$0x3FB8] =	sst s0;
	s0 =	simm.s32 @!p1 $0x0  }
0x14: {  	s2 =	sld [smem:$0x3F9C];
	s0 =	simm.s32 @p1 $0x1  }
0x15: {  	[smem:$0x3FB9] =	sst s0;
	s0 =	simm.s32 @!p2 $0x0  }
0x16: {  	s3 =	sld [smem:$0x3FDB];
	s0 =	simm.s32 @p2 $0x1  }
0x17: {  	s4 =	simm.s32 $0x1BF5;
	[smem:$0x3FBB] =	sst s0  }
0x18: {  	s0 =	sld [smem:$0x3F9E];
	_ =	swait.ge [sflag:s4], $0x0  }
0x19: {  	s7 =	sld [smem:$0x3F9F]  }
0x1a: {  	s8 =	sadd.s32 $0xFFFFE003, lr  }
0x1b: {  	s9 =	sadd.s32 $0xFFFFFEF7, lr;
	s5 =	simm.s32 $0xFFFFFFFF;
	p2 =	slt.u32 s8, $0xFFFFF086  }
0x1c: {  	p1 =	slt.u32 s9, $0xF7A;
	s5 =	simm.s32 @!p2 $0x0  }
0x1d: {  	s5 =	simm.s32 @p1 $0x1;
	p0 =	seq.s32 s7, s2  }
0x1e: {  	s7 =	smul.u32 @!p0 $0xF7A, s2;
	p2 =	seq.s32 @!p0 s5, $0x0  }
0x1f: {  	s9 =	smul.u32 $0xF7A, s1;
	s8 =	simm.s32 @!p0 $0x1BF5;
	p2 =	por !p2, p0  }
0x20: {  	[sflag:s8] =	ssyncset.s32 @!p0 $0xFFFFF086;
	s6 =	sadd.s32 @!p0 s3, s7;
	s7 =	simm.s32 @!p0 $0x108  }
0x21: {  	s3 =	sadd.s32 s3, s9;
	s6 =	sadd.s32 @!p0 $0x88, s6;
	s7 =	simm.s32 @p2 $0x1082  }
0x22: {  	[simem:s7], [sflag:s8] =	dma.local @!p0 [hbm:s6], $0xF7A  }
0x23: {  	s9 =	sor.u32 $0xD0000000, s2;
	s6 =	simm.s32 $0x108;
	_ =	swait.ge @!p0 [sflag:s8], $0x0  }
0x24: {  	s3 =	sadd.s32 $0x88, s3;
	s6 =	simm.s32 @!p1 $0x1082;
	[sflag:s4] =	ssyncset.s32 $0xFFFFF086  }
0x25: {  	[simem:s6], [sflag:s4] =	dma.local [hbm:s3], $0xF7A  }
0x26: {  	[smem:$0x3F9F] =	sst s1;
	(tag) =	ssettag s2;
	_ =	strace s9  }
0x27: {  	s1 =	sld [smem:$0x3FAF]  }
0x28: {  	s2 =	sld [smem:$0x3FB0]  }
0x29: {  	s4 =	sld [smem:$0x3FB2]  }
0x2a: {  	p0 =	seq.s32 s5, $0x0;
	s5 =	sld [smem:$0x3FB3]  }
0x2b: {  	s6 =	sld [smem:$0x3FB4]  }
0x2c: {  	s7 =	sld [smem:$0x3FB5]  }
0x2d: {  	s3 =	simm.s32 $0x108;
	s8 =	sld [smem:$0x3FB6]  }
0x2e: {  	s3 =	simm.s32 @!p0 $0x1082;
	s9 =	sld [smem:$0x3FB7]  }
0x2f: {  	lr =	sadd.s32 s0, s3;
	s0 =	sld [smem:$0x3FAE]  }
0x30: {  	s3 =	sld [smem:$0x3FB1]  }
0x31: {  	[smem:$0x3FBA] =	sst s10  }
0x32: {  	s10 =	sld [smem:$0x3FB8];
	_ =	sdelay $0x3  }
0x33: {  	p0 =	seq.s32 s10, $0x1;
	s10 =	sld [smem:$0x3FBA];
	_ =	sdelay $0x3  }
0x34: {  	[smem:$0x3FBA] =	sst s10  }
0x35: {  	s10 =	sld [smem:$0x3FB9];
	_ =	sdelay $0x3  }
0x36: {  	p1 =	seq.s32 s10, $0x1;
	s10 =	sld [smem:$0x3FBA];
	_ =	sdelay $0x3  }
0x37: {  	[smem:$0x3FBA] =	sst s10  }
0x38: {  	s10 =	sld [smem:$0x3FBB]  }
0x39: {  	_ = 	snop;
	(pc) =	sbr.ind lr, $3  }
0x3a: {  	_ = 	snop  }
0x3b: {  	_ = 	snop  }
0x3c: {  	p2 =	seq.s32 s10, $0x1;
	s10 =	sld [smem:$0x3FBA]  }
0x3d: {  	_ =	shalt  }
0x3e: {  	_ =	shalt  }
0x3f: {  	_ =	shalt  }
0x40: {  	_ =	shalt  }
0x41: {  	_ =	shalt  }
0x42: {  	_ =	shalt  }
0x43: {  	_ =	shalt  }
0x44: {  	_ =	shalt  }
0x45: {  	_ =	shalt  }
0x46: {  	_ =	shalt  }
0x47: {  	_ =	shalt  }
0x48: {  	_ =	shalt  }
0x49: {  	_ =	shalt  }
0x4a: {  	_ =	shalt  }
0x4b: {  	_ =	shalt  }
0x4c: {  	_ =	shalt  }
0x4d: {  	_ =	shalt  }
0x4e: {  	_ =	shalt  }
0x4f: {  	_ =	shalt  }
0x50: {  	_ =	shalt  }
0x51: {  	_ =	shalt  }
0x52: {  	_ =	shalt  }
0x53: {  	_ =	shalt  }
0x54: {  	_ =	shalt  }
0x55: {  	_ =	shalt  }
0x56: {  	_ =	shalt  }
0x57: {  	_ =	shalt  }
0x58: {  	_ =	shalt  }
0x59: {  	_ =	shalt  }
0x5a: {  	_ =	shalt  }
0x5b: {  	_ =	shalt  }
0x5c: {  	_ =	shalt  }
0x5d: {  	_ =	shalt  }
0x5e: {  	_ =	shalt  }
0x5f: {  	_ =	shalt  }
0x60: {  	_ =	shalt  }
0x61: {  	_ =	shalt  }
0x62: {  	_ =	shalt  }
0x63: {  	_ =	shalt  }
0x64: {  	_ =	shalt  }
0x65: {  	_ =	shalt  }
0x66: {  	_ =	shalt  }
0x67: {  	_ =	shalt  }
0x68: {  	_ =	shalt  }
0x69: {  	_ =	shalt  }
0x6a: {  	_ =	shalt  }
0x6b: {  	_ =	shalt  }
0x6c: {  	_ =	shalt  }
0x6d: {  	_ =	shalt  }
0x6e: {  	_ =	shalt  }
0x6f: {  	_ =	shalt  }
0x70: {  	_ =	shalt  }
0x71: {  	_ =	shalt  }
0x72: {  	_ =	shalt  }
0x73: {  	_ =	shalt  }
0x74: {  	_ =	shalt  }
0x75: {  	_ =	shalt  }
0x76: {  	_ =	shalt  }
0x77: {  	_ =	shalt  }
0x78: {  	_ =	shalt  }
0x79: {  	_ =	shalt  }
0x7a: {  	_ =	shalt  }
0x7b: {  	_ =	shalt  }
0x7c: {  	_ =	shalt  }
0x7d: {  	_ =	shalt  }
0x7e: {  	_ =	shalt  }
0x7f: {  	_ =	shalt  }
0x80: {  	_ =	shalt  }
0x81: {  	_ =	shalt  }
0x82: {  	_ =	shalt  }
0x83: {  	_ =	shalt  }
0x84: {  	_ =	shalt  }
0x85: {  	_ =	shalt  }
0x86: {  	_ =	shalt  }
0x87: {  	_ =	shalt  }
.Lfunc_end0:
.L_simem_size_0:
called_computation_lowered:
.L_overlay_start_0:
0x88: {  	s2 =	sld [smem:$0x3FD9]  }
0x89: {  	s3 =	sld [smem:$0x3FFE];
	_ =	sdelay $0x1  }
0x8a: {  	s1 =	srdreg.scid  }
0x8b: {  	s0 =	sand.u32 $0x1, s1  }
0x8c: {  	s17 =	sshll.u32 s0, $0xA;
	s2 =	sadd.s32 s3, s2  }
0x8d: {  	s2 =	sadd.s32 s2, s17  }
0x8e: {  	[smem:$0x3FC6] =	sst s2  }
0x8f: {  	_ = 	snop  }
0x90: {  	s2 =	sld [smem:$0x3FC8];
	(tm) =	ssettm $0x1  }
0x91: {  	s18 =	sld [smem:$0x3FFB];
	_ =	sdelay $0x3  }
0x92: {  	_ =	strace s18  }
0x93: {  	s3 =	sld [smem:$0x3FFC];
	_ =	sdelay $0x3  }
0x94: {  	_ =	strace s3  }
0x95: {  	s3 =	sld [smem:$0x3FFD];
	_ =	sdelay $0x3  }
0x96: {  	_ =	strace s3  }
0x97: {  	_ =	strace $0x8FFFFFFF  }
0x98: {  	s19 =	sld [smem:$0x3FDB];
	_ =	sdelay $0x1  }
0x99: {  	s4 =	simm.s32 $_scs_section_size  }
0x9a: {  	s5 =	simm.s32 $_size__tile_overlayer_lowered;
	s6 =	simm.s32 $_tile_overlayer_lowered  }
0x9b: {  	s22 =	simm.s32 $0x1BFF;
	s21 =	sshll.u32 s6, $0x1;
	s3 =	sadd.s32 s4, s19  }
0x9c: {  	s7 =	simm.s32 $0x0;
	s20 =	sshll.u32 s5, $0x1;
	s5 =	sadd.s32 s21, s3  }
0x9d: {  	[timem:s7], [sflag:s22] =	dma.local [hbm:s5], s20  }
0x9e: {  	_ =	swait.ge [sflag:s22], s20  }
0x9f: {  	s4 =	ssub.s32 $0x0, s20;
	[sflag:s22] =	ssyncset.done $0x0  }
0xa0: {  	[sflag:s22] =	ssyncadd.s32 s4;
	_ =	sdelay $0x1  }
0xa1: {  	s23 =	simm.s32 $0x1B8B  }
0xa2: {  	_ =	swait.ge [sflag:s23], $0x1  }
0xa3: {  	[sflag:s23] =	ssyncset.done $0x0  }
0xa4: {  	s25 =	simm.s32 $0x1B8E;
	s24 =	sld [smem:$0x3FFE];
	[sflag:s23] =	ssyncadd.s32 $0xFFFFFFFF  }
0xa5: {  	s26 =	simm.s32 $execute0_lowered;
	[smem:$0x3FD2] =	sst s25  }
0xa6: {  	s5 =	sshll.u32 s26, $0x1;
	_ =	strace $0x80000046;
	[dreg:$0x1] =	wrdreg $0xFFFFFFFF  }
0xa7: {  	s28 =	simm.s32 $_size_execute0_lowered;
	s3 =	sadd.s32 s3, s5;
	[dreg:$0x0] =	wrdreg $0x0  }
0xa8: {  	s5 =	sshll.u32 s28, $0x1;
	[dreg:$0x2] =	wrdreg s3  }
0xa9: {  	[dreg:$0x3] =	wrdreg s5  }
0xaa: {  	[dreg:$0x4] =	wrdreg $0xC0  }
0xab: {  	_ =	task [dreg:s7], $0x5FFFF  }
0xac: {  	[dreg:$0x1] =	wrdreg $0xFFFFFFFF  }
0xad: {  	[dreg:$0x0] =	wrdreg $0x60  }
0xae: {  	[dreg:$0x2] =	wrdreg s24  }
0xaf: {  	[dreg:$0x3] =	wrdreg s2  }
0xb0: {  	[dreg:$0x4] =	wrdreg $0x9  }
0xb1: {  	_ =	task.clear_ibuf [dreg:s7], $0x5FFFF;
	_ =	strace $0x90000046  }
0xb2: {  	s29 =	simm.s32 $0x9;
	_ =	strace $0x80000048  }
0xb3: {  	_ =	swait.ge [sflag:s29], $0x1  }
0xb4: {  	[sflag:s29] =	ssyncadd.s32 $0xFFFFFFFF  }
0xb5: {  	_ =	strace $0x90000048  }
0xb6: {  	_ =	sfence  }
0xb7: {  	s30 =	sld [smem:$0x0];
	_ =	sdelay $0x2  }
0xb8: {  	s31 =	sshll.u32 s1, $0xD;
	s1 =	sshrl.u32 s1, $0x2  }
0xb9: {  	s3 =	sand.u32 $0x4000, s31;
	s1 =	sadd.s32 s1, s30  }
0xba: {  	s0 =	sor.u32 s3, s0;
	s1 =	sshll.u32 s1, $0x11  }
0xbb: {  	s0 =	sor.u32 s1, s0  }
0xbc: {  	s0 =	sadd.s32 $0x8F2B, s0  }
0xbd: {  	[sflag:s0] =	ssyncadd.remote.s32 $0x1  }
0xbe: {  	_ =	sfence.sel $0xFFFF  }
0xbf: {  	[dreg:$0x0] =	wrdreg $0xFFFFFFFF;
	(pc) =	sbr.abs _section_cstart, $3  }
0xc0: {  	[dreg:$0x1] =	wrdreg $0xFFFFFFFF  }
0xc1: {  	_ =	task.clear_ibuf [dreg:s7], $0x2FFFF;
	_ =	strace $0x9FFFFFFF  }
0xc2: {  	(tm) =	ssettm $0x7FFFFFFF  }
0xc3: {  	_ =	shalt  }
tec
execute0_lowered:
.L_overlay_start_1:
0x0: {  	(tag) =	ssettag $0x1  }
0x1: {  	s6 =	rddreg [dreg:$0x0]  }
0x2: {  	s2 =	rddreg [dreg:$0x1];
	s4 =	srdreg.scid  }
0x3: {  	s0 =	stileid.u32;
	s3 =	simm.s32 $0x0;
	s12 =	simm.s32 $0x19000  }
0x4: {  	s13 =	simm.s32 $0x6400;
	s14 =	simm.s32 $0x19100;
	s15 =	simm.s32 $0x1  }
0x5: {  	s16 =	simm.s32 $0x5;
	s17 =	simm.s32 $0xC800;
	s18 =	simm.s32 $0x2  }
0x6: {  	s19 =	simm.s32 $0x6;
	s20 =	simm.s32 $0x12C00;
	s21 =	simm.s32 $0x3  }
0x7: {  	s22 =	simm.s32 $0x4;
	s7 =	sand.u32 $0x1, s4;
	s30 =	sshll.u32 s0, $0x1  }
0x8: {  	s23 =	simm.s32 $0x0;
	[smem:$0x7FF] =	sst s3;
	s8 =	sor.u32 s7, s30  }
0x9: {  	s5 =	sadd.s32 $0x400, s6;
	s7 =	ssub.s32 $0x2, s7;
	s4 =	smul.u32 $0x6400, s8  }
0xa: {  	s6 =	sadd.s32 $0xC80400, s6;
	s8 =	smul.u32 $0x64000, s8;
	s9 =	sshrl.u32 s7, $0x1  }
0xb: {  	_ =	strace $0x80000047;
	s11 =	ssub.s32 s7, s9;
	s10 =	sshrl.u32 s4, $0x3  }
0xc: {  	s31 =	sadd.s32 s5, s8;
	s9 =	sor.u32 $0xC8, s4;
	s11 =	smax.u32 s11, $0x1  }
0xd: {  	v0 =	vlaneseq.u32;
	[dreg:$0x3] =	wrdreg s31;
	s8 =	sadd.s32 s2, s10;
	s10 =	sor.u32 $0x190, s4  }
.LBB2_1:
0xe: {  	s0 =	rddreg [dreg:$0x3]  }
0xf: {  	[tilespmem:s3], [sflag:$0x1] =	stream.linear.gather [hbm4b:s0+s3], $0x6400, $0x38;
	[tilespmem:$0x19200] =	vst v63  }
0x10: {  	s24 =	simm.s32 $0x0  }
0x11: {  	[tilespmem:s12], [sflag:$0x5] =	stream.linear.gather [hbm4b:s8+s3], $0xC8, $0x38;
	[tilespmem:$0x19200] =	vst v63  }
.LBB2_2:
0x12: {  	s26 =	smul.u32 $0x190, s24;
	_ =	sdelay $0x1  }
0x13: {  	s28 =	sadd.s32 s26, s9  }
0x14: {  	s30 =	simm.s32 $0x60;
	s25 =	sshll.u32 s28, $0x4  }
0x15: {  	v4 =	vor.u32 s30, v0;
	s30 =	simm.s32 $0x0;
	s28 =	sshrl.u32 s28, $0x3;
	s29 =	sadd.s32 s5, s25  }
0x16: {  	[tilespmem:s13], [sflag:$0x2] =	stream.linear.gather [hbm4b:s29+s3], $0x6400, $0x38;
	[tilespmem:$0x19200] =	vst v63  }
0x17: {  	v7 =	vmulhi.u32 $0xB21642C9, v4;
	v8 =	vor.u32 s30, v0;
	s28 =	sadd.s32 s2, s28  }
0x18: {  	v11 =	vmulhi.u32 $0xB21642C9, v8;
	[tilespmem:s14], [sflag:$0x6] =	stream.linear.gather [hbm4b:s28+s3], $0xC8, $0x38;
	[tilespmem:$0x19200] =	vst v63  }
0x19: {  	_ =	swait.ge [sflag:s15], $0x6400  }
0x1a: {  	v7 =	vshrl.u32 v7, $0x5;
	s29 =	simm.s32 $0x10;
	v11 =	vshrl.u32 v11, $0x5;
	s28 =	simm.s32 $0x70;
	[sflag:s15] =	ssyncset.done $0x0  }
0x1b: {  	v24 =	vmul.u32 $0xFFFFFFD2, v7;
	v3 =	vor.u32 s29, v0;
	s29 =	simm.s32 $0x30;
	v2 =	vor.u32 s28, v0;
	[sflag:s15] =	ssyncadd.s32 $0xFFFF9C00  }
0x1c: {  	v16 =	vmul.u32 $0xFFFFFFD2, v11;
	v6 =	vor.u32 s29, v0;
	s28 =	simm.s32 $0x20;
	v1 =	vmulhi.u32 $0xB21642C9, v2;
	_ =	swait.ge [sflag:s16], $0xC8  }
0x1d: {  	p0 =	seq.s32 s24, $0x0;
	v13 =	vmulhi.u32 $0xB21642C9, v3;
	v4 =	vadd.s32 v4, v24;
	v5 =	vor.u32 s28, v0;
	s28 =	simm.s32 $0x40;
	[sflag:s16] =	ssyncset.done $0x0  }
0x1e: {  	s29 =	simm.s32 $0x50;
	v17 =	vmulhi.u32 $0xB21642C9, v6;
	v9 =	vor.u32 s28, v0;
	s28 =	simm.s32 @!p0 $0x3;
	v12 =	vshrl.u32 v1, $0x5;
	[sflag:s16] =	ssyncadd.s32 $0xFFFFFF38  }
0x1f: {  	v10 =	vor.u32 s29, v0;
	v8 =	vadd.s32 v8, v16;
	v15 =	vmulhi.u32 $0xB21642C9, v5;
	_ =	swait.ge @!p0 [sflag:s28], $0x6400  }
0x20: {  	v30 =	vand.u32 $0xFFFFFF80, v4;
	v13 =	vshrl.u32 v13, $0x5;
	v21 =	vmulhi.u32 $0xB21642C9, v10;
	[sflag:s28] =	ssyncset.done @!p0 $0x0  }
0x21: {  	v18 =	vmul.u32 $0xFFFFFFD2, v13;
	v17 =	vshrl.u32 v17, $0x5;
	v15 =	vshrl.u32 v15, $0x5;
	[sflag:s28] =	ssyncadd.s32 @!p0 $0xFFFF9C00  }
0x22: {  	v19 =	vmulhi.u32 $0xB21642C9, v9;
	v16 =	vmul.u32 $0xFFFFFFD2, v17;
	v21 =	vshrl.u32 v21, $0x5;
	v22 =	vld.idx.msk [tilespmem:v7+s12+$0x0], $0xffff  }
0x23: {  	v14 =	vmul.u32 $0xFFFFFFD2, v12;
	v1 =	vshll.u32 v12, $0x7;
	v3 =	vadd.s32 v3, v18;
	v12 =	vld.idx.msk [tilespmem:v12+s12+$0x0], $0xffff  }
0x24: {  	v44 =	vmul.u32 $0xFFFFFFD2, v21;
	v20 =	vmul.u32 $0xFFFFFFD2, v15;
	v19 =	vshrl.u32 v19, $0x5;
	v23 =	vld.idx.msk [tilespmem:v11+s12+$0x0], $0xffff  }
0x25: {  	v6 =	vadd.s32 v6, v16;
	v56 =	vand.u32 $0xFFFFFF80, v3;
	v18 =	vmul.u32 $0xFFFFFFD2, v19;
	v25 =	vld.idx.msk [tilespmem:v13+s12+$0x0], $0xffff  }
0x26: {  	v14 =	vadd.s32 v2, v14;
	v58 =	vand.u32 $0xFFFFFF80, v6;
	v5 =	vadd.s32 v5, v20;
	v2 =	vld.idx.msk [tilespmem:v15+s12+$0x0], $0xffff  }
0x27: {  	v31 =	vand.u32 $0xFFFFFF80, v14;
	v16 =	vadd.s32 v9, v18;
	v18 =	vadd.s32 v10, v44;
	v9 =	vld.idx.msk [tilespmem:v17+s12+$0x0], $0xffff  }
0x28: {  	v57 =	vand.u32 $0xFFFFFF80, v5;
	v63 =	vand.u32 $0x7F, v5;
	v11 =	vshll.u32 v11, $0x7;
	v46 =	vld.idx.msk [tilespmem:v21+s12+$0x0], $0xffff  }
0x29: {  	v13 =	vshll.u32 v13, $0x7;
	v15 =	vshll.u32 v15, $0x7;
	v7 =	vshll.u32 v7, $0x7  }
0x2a: {  	v17 =	vshll.u32 v17, $0x7;
	v21 =	vshll.u32 v21, $0x7;
	v59 =	vand.u32 $0xFFFFFF80, v16  }
0x2b: {  	v60 =	vand.u32 $0xFFFFFF80, v18;
	v45 =	vld.idx.msk [tilespmem:v19+s12+$0x0], $0xffff;
	v19 =	vshll.u32 v19, $0x7;
	v10 =	vsub.s32 v4, v22  }
0x2c: {  	v12 =	vsub.s32 v14, v12;
	v23 =	vsub.s32 v8, v23;
	v47 =	vsub.s32 v3, v25  }
0x2d: {  	v2 =	vsub.s32 v5, v2;
	v9 =	vsub.s32 v6, v9;
	v24 =	vsub.s32 v18, v46  }
0x2e: {  	v4 =	vand.u32 $0x7F, v4;
	vm0 =	vlt.s32 v10, $0x0;
	v22 =	vadd.s32 $0x2E, v10  }
0x2f: {  	vm15 =	vlt.s32 v12, $0x0;
	vm1 =	vlt.s32 v23, $0x0;
	v49 =	vadd.s32 $0x2E, v23  }
0x30: {  	vm2 =	vlt.s32 v47, $0x0;
	v20 =	vsub.s32 v16, v45;
	v26 =	vadd.s32 $0x2E, v47  }
0x31: {  	vm3 =	vlt.s32 v2, $0x0;
	v27 =	vadd.s32 $0x2E, v2;
	vm4 =	vlt.s32 v9, $0x0  }
0x32: {  	v28 =	vadd.s32 $0x2E, v9;
	vm6 =	vlt.s32 v24, $0x0;
	v50 =	vadd.s32 $0x2E, v24  }
0x33: {  	v10 =	vsel vm0, v22, v10;
	vm5 =	vlt.s32 v20, $0x0;
	v29 =	vadd.s32 $0x2E, v20  }
0x34: {  	v23 =	vsel vm1, v49, v23;
	v22 =	vsel vm2, v26, v47;
	v2 =	vsel vm3, v27, v2  }
0x35: {  	v9 =	vsel vm4, v28, v9;
	v24 =	vsel vm6, v50, v24;
	v48 =	vand.u32 $0xFFFFFF80, v10  }
0x36: {  	v10 =	vand.u32 $0x7F, v10;
	v20 =	vsel vm5, v29, v20;
	v26 =	vand.u32 $0xFFFFFF80, v22  }
0x37: {  	v51 =	vand.u32 $0xFFFFFF80, v9;
	v53 =	vand.u32 $0xFFFFFF80, v24;
	v22 =	vand.u32 $0x7F, v22  }
0x38: {  	v9 =	vand.u32 $0x7F, v9;
	v24 =	vand.u32 $0x7F, v24;
	v25 =	vadd.s32 v7, v48  }
0x39: {  	v7 =	vadd.s32 v7, v30;
	v52 =	vand.u32 $0xFFFFFF80, v20;
	v26 =	vadd.s32 v13, v26  }
0x3a: {  	v27 =	vadd.s32 v17, v51;
	v29 =	vadd.s32 v21, v53;
	v20 =	vand.u32 $0x7F, v20  }
0x3b: {  	v10 =	vor.u32 v10, v25;
	v4 =	vor.u32 v4, v7;
	v7 =	vadd.s32 $0x2E, v12  }
0x3c: {  	v25 =	vand.u32 $0xFFFFFF80, v23;
	v23 =	vand.u32 $0x7F, v23;
	v28 =	vadd.s32 v19, v52  }
0x3d: {  	v22 =	vor.u32 v22, v26;
	v55 =	vor.u32 v9, v27;
	v7 =	vsel vm15, v7, v12  }
0x3e: {  	v12 =	vand.u32 $0xFFFFFF80, v2;
	v25 =	vadd.s32 v11, v25;
	v2 =	vand.u32 $0x7F, v2  }
0x3f: {  	v20 =	vor.u32 v20, v28;
	v54 =	vand.u32 $0xFFFFFF80, v7;
	v12 =	vadd.s32 v15, v12  }
0x40: {  	v23 =	vor.u32 v23, v25;
	v7 =	vand.u32 $0x7F, v7;
	v30 =	vadd.s32 v1, v54  }
0x41: {  	v2 =	vor.u32 v2, v12;
	v12 =	vand.u32 $0xFFFFFF80, v8;
	v9 =	vor.u32 v7, v30;
	v7 =	vld.idx.msk [tilespmem:v10+s3+$0x0], $0xffff  }
0x42: {  	v62 =	vadd.s32 v17, v58;
	v24 =	vor.u32 v24, v29;
	v61 =	vadd.s32 v11, v12;
	v11 =	vld.idx.msk [tilespmem:v22+s3+$0x0], $0xffff  }
0x43: {  	v16 =	vand.u32 $0x7F, v16;
	v12 =	vadd.s32 v19, v59;
	v19 =	vand.u32 $0x7F, v3;
	v3 =	vld.idx.msk [tilespmem:v55+s3+$0x0], $0xffff  }
0x44: {  	v17 =	vand.u32 $0x7F, v18;
	v26 =	vadd.s32 v13, v56;
	v8 =	vand.u32 $0x7F, v8;
	v5 =	vld.idx.msk [tilespmem:v20+s3+$0x0], $0xffff  }
0x45: {  	v27 =	vadd.s32 v15, v57;
	v13 =	vadd.s32 v21, v60;
	v15 =	vor.u32 v8, v61;
	v10 =	vld.idx.msk [tilespmem:v23+s3+$0x0], $0xffff  }
0x46: {  	s31 =	simm.s32 $0xF0;
	v2 =	vld.idx.msk [tilespmem:v2+s3+$0x0], $0xffff;
	[tilespmem:v4+s17+$0x0] =	vst.idx.msk $0xffff, v7;
	v4 =	vand.u32 $0x7F, v6;
	v6 =	vand.u32 $0x7F, v14;
	v7 =	vadd.s32 v1, v31  }
0x47: {  	s30 =	simm.s32 $0x0;
	s29 =	simm.s32 $0x2380;
	s28 =	sadd.s32 s4, s26;
	v1 =	vor.u32 v19, v26;
	v14 =	vor.u32 v63, v27;
	v8 =	vor.u32 v4, v62;
	v4 =	vld.idx.msk [tilespmem:v24+s3+$0x0], $0xffff  }
.LBB2_3:
0x48: {  	s0 =	sadd.s32 $0xFFFFFFA0, s31;
	s1 =	sadd.s32 $0xFFFFFFF0, s31;
	v18 =	vor.u32 s31, v0;
	s30 =	sadd.s32 $0x8, s30;
	v12 =	vor.u32 v16, v12;
	v13 =	vor.u32 v17, v13;
	v9 =	vld.idx.msk [tilespmem:v9+s3+$0x0], $0xffff  }
0x49: {  	s7 =	sadd.s32 $0xFFFFFFC0, s31;
	v16 =	vor.u32 s0, v0;
	s0 =	sadd.s32 $0xFFFFFFB0, s31;
	v17 =	vor.u32 s1, v0;
	v19 =	vmulhi.u32 $0xB21642C9, v18;
	p1 =	slt.u32 s30, $0x230  }
0x4a: {  	s1 =	sadd.s32 $0xFFFFFF90, s31;
	v21 =	vor.u32 s7, v0;
	s7 =	sadd.s32 $0xFFFFFFE0, s31;
	v20 =	vor.u32 s0, v0;
	s0 =	sadd.s32 $0xFFFFFFD0, s31;
	v22 =	vmulhi.u32 $0xB21642C9, v17  }
0x4b: {  	v23 =	vor.u32 s1, v0;
	v25 =	vor.u32 s7, v0;
	v24 =	vor.u32 s0, v0;
	[tilespmem:v15+s17+$0x0] =	vst.idx.msk $0xffff, v10  }
0x4c: {  	v10 =	vmulhi.u32 $0xB21642C9, v23;
	v19 =	vshrl.u32 v19, $0x5;
	v15 =	vshrl.u32 v22, $0x5;
	[tilespmem:v1+s17+$0x0] =	vst.idx.msk $0xffff, v11  }
0x4d: {  	v11 =	vmulhi.u32 $0xB21642C9, v16;
	v22 =	vmul.u32 $0xFFFFFFD2, v19;
	v1 =	vshll.u32 v19, $0x7;
	[tilespmem:v14+s17+$0x0] =	vst.idx.msk $0xffff, v2  }
0x4e: {  	v6 =	vor.u32 v6, v7;
	v10 =	vshrl.u32 v10, $0x5;
	v2 =	vmulhi.u32 $0xB21642C9, v20;
	[tilespmem:v8+s17+$0x0] =	vst.idx.msk $0xffff, v3  }
0x4f: {  	v7 =	vmulhi.u32 $0xB21642C9, v21;
	v3 =	vmul.u32 $0xFFFFFFD2, v10;
	v11 =	vshrl.u32 v11, $0x5;
	[tilespmem:v12+s17+$0x0] =	vst.idx.msk $0xffff, v5  }
0x50: {  	v8 =	vmulhi.u32 $0xB21642C9, v24;
	v5 =	vmul.u32 $0xFFFFFFD2, v11;
	v12 =	vshrl.u32 v2, $0x5;
	[tilespmem:v13+s17+$0x0] =	vst.idx.msk $0xffff, v4  }
0x51: {  	v4 =	vmul.u32 $0xFFFFFFD2, v12;
	v13 =	vshrl.u32 v7, $0x5;
	v7 =	vmulhi.u32 $0xB21642C9, v25;
	v14 =	vld.idx.msk [tilespmem:v15+s12+$0x0], $0xffff  }
0x52: {  	v2 =	vadd.s32 v23, v3;
	v26 =	vshrl.u32 v8, $0x5;
	v23 =	vmul.u32 $0xFFFFFFD2, v13;
	v19 =	vld.idx.msk [tilespmem:v19+s12+$0x0], $0xffff  }
0x53: {  	v3 =	vadd.s32 v16, v5;
	v8 =	vmul.u32 $0xFFFFFFD2, v26;
	v16 =	vshrl.u32 v7, $0x5;
	v27 =	vld.idx.msk [tilespmem:v10+s12+$0x0], $0xffff;
	[tilespmem:v6+s17+$0x0] =	vst.idx.msk $0xffff, v9  }
0x54: {  	v28 =	vmul.u32 $0xFFFFFFD2, v15;
	v5 =	vadd.s32 v20, v4;
	v20 =	vmul.u32 $0xFFFFFFD2, v16;
	v9 =	vld.idx.msk [tilespmem:v11+s12+$0x0], $0xffff  }
0x55: {  	v4 =	vadd.s32 v18, v22;
	v6 =	vadd.s32 v21, v23;
	v7 =	vadd.s32 v24, v8;
	v29 =	vld.idx.msk [tilespmem:v12+s12+$0x0], $0xffff  }
0x56: {  	v17 =	vadd.s32 v17, v28;
	v18 =	vshll.u32 v10, $0x7;
	v8 =	vadd.s32 v25, v20;
	v10 =	vld.idx.msk [tilespmem:v13+s12+$0x0], $0xffff  }
0x57: {  	v11 =	vshll.u32 v11, $0x7;
	v12 =	vshll.u32 v12, $0x7;
	v14 =	vsub.s32 v17, v14;
	v20 =	vld.idx.msk [tilespmem:v26+s12+$0x0], $0xffff  }
0x58: {  	vm0 =	vlt.s32 v14, $0x0;
	v22 =	vadd.s32 $0x2E, v14;
	v19 =	vsub.s32 v4, v19;
	v21 =	vld.idx.msk [tilespmem:v16+s12+$0x0], $0xffff  }
0x59: {  	v23 =	vsub.s32 v2, v27;
	v14 =	vsel vm0, v22, v14;
	vm0 =	vlt.s32 v19, $0x0  }
0x5a: {  	v15 =	vshll.u32 v15, $0x7;
	v9 =	vsub.s32 v3, v9;
	v22 =	vand.u32 $0xFFFFFF80, v14  }
0x5b: {  	v14 =	vand.u32 $0x7F, v14;
	v24 =	vsub.s32 v5, v29;
	v22 =	vadd.s32 v15, v22  }
0x5c: {  	vm1 =	vlt.s32 v23, $0x0;
	v10 =	vsub.s32 v6, v10;
	v14 =	vor.u32 v14, v22  }
0x5d: {  	vm2 =	vlt.s32 v9, $0x0;
	v22 =	vadd.s32 $0x2E, v23;
	v20 =	vsub.s32 v7, v20  }
0x5e: {  	v25 =	vadd.s32 $0x2E, v9;
	vm3 =	vlt.s32 v24, $0x0;
	v21 =	vsub.s32 v8, v21  }
0x5f: {  	v27 =	vadd.s32 $0x2E, v24;
	vm4 =	vlt.s32 v10, $0x0;
	v28 =	vadd.s32 $0x2E, v10  }
0x60: {  	v30 =	vand.u32 $0xFFFFFF80, v17;
	vm5 =	vlt.s32 v20, $0x0;
	v29 =	vadd.s32 $0x2E, v20  }
0x61: {  	v17 =	vand.u32 $0x7F, v17;
	v15 =	vadd.s32 v15, v30;
	vm6 =	vlt.s32 v21, $0x0;
	v14 =	vld.idx.msk [tilespmem:v14+s3+$0x0], $0xffff  }
0x62: {  	v15 =	vor.u32 v17, v15;
	v17 =	vadd.s32 $0x2E, v19;
	v30 =	vadd.s32 $0x2E, v21  }
0x63: {  	v9 =	vsel vm2, v25, v9;
	v22 =	vsel vm1, v22, v23;
	v23 =	vsel vm3, v27, v24  }
0x64: {  	v10 =	vsel vm4, v28, v10;
	v20 =	vsel vm5, v29, v20;
	v21 =	vsel vm6, v30, v21  }
0x65: {  	v25 =	vand.u32 $0xFFFFFF80, v9;
	v17 =	vsel vm0, v17, v19;
	v24 =	vand.u32 $0xFFFFFF80, v22  }
0x66: {  	v19 =	vand.u32 $0xFFFFFF80, v23;
	v27 =	vand.u32 $0xFFFFFF80, v10;
	v28 =	vand.u32 $0xFFFFFF80, v20  }
0x67: {  	v13 =	vshll.u32 v13, $0x7;
	v29 =	vand.u32 $0xFFFFFF80, v21;
	[tilespmem:v15+s17+$0x0] =	vst.idx.msk $0xffff, v14;
	v14 =	vand.u32 $0xFFFFFF80, v17  }
0x68: {  	v16 =	vshll.u32 v16, $0x7;
	v15 =	vadd.s32 v18, v24;
	v24 =	vshll.u32 v26, $0x7  }
0x69: {  	v25 =	vadd.s32 v11, v25;
	v19 =	vadd.s32 v12, v19;
	v26 =	vadd.s32 v13, v27  }
0x6a: {  	v22 =	vand.u32 $0x7F, v22;
	v27 =	vadd.s32 v24, v28;
	v28 =	vadd.s32 v16, v29  }
0x6b: {  	v9 =	vand.u32 $0x7F, v9;
	v23 =	vand.u32 $0x7F, v23;
	v10 =	vand.u32 $0x7F, v10  }
0x6c: {  	v20 =	vand.u32 $0x7F, v20;
	v21 =	vand.u32 $0x7F, v21;
	v14 =	vadd.s32 v1, v14  }
0x6d: {  	v15 =	vor.u32 v22, v15;
	v22 =	vor.u32 v9, v25;
	v9 =	vand.u32 $0x7F, v17  }
0x6e: {  	v17 =	vor.u32 v23, v19;
	v19 =	vor.u32 v10, v26;
	v20 =	vor.u32 v20, v27  }
0x6f: {  	v23 =	vand.u32 $0xFFFFFF80, v2;
	v21 =	vor.u32 v21, v28;
	v9 =	vor.u32 v9, v14  }
0x70: {  	v25 =	vand.u32 $0xFFFFFF80, v5;
	v26 =	vand.u32 $0xFFFFFF80, v6;
	v14 =	vand.u32 $0xFFFFFF80, v3  }
0x71: {  	v29 =	vand.u32 $0xFFFFFF80, v4;
	v27 =	vand.u32 $0xFFFFFF80, v7;
	v28 =	vand.u32 $0xFFFFFF80, v8  }
0x72: {  	v14 =	vadd.s32 v11, v14;
	v10 =	vld.idx.msk [tilespmem:v15+s3+$0x0], $0xffff;
	v15 =	vadd.s32 v18, v23;
	v18 =	vadd.s32 v12, v25  }
.Ltmp0:
0x73: {  	v12 =	vadd.s32 v24, v27;
	v11 =	vld.idx.msk [tilespmem:v22+s3+$0x0], $0xffff;
	v22 =	vadd.s32 v13, v26;
	v13 =	vadd.s32 v16, v28;
	(pc) =	sbr.rel @p1 .LBB2_3-.Ltmp0, $4  }
0x74: {  	v23 =	vand.u32 $0x7F, v2;
	v24 =	vand.u32 $0x7F, v3;
	v25 =	vand.u32 $0x7F, v5;
	v2 =	vld.idx.msk [tilespmem:v17+s3+$0x0], $0xffff  }
0x75: {  	v16 =	vand.u32 $0x7F, v7;
	v17 =	vand.u32 $0x7F, v8;
	v3 =	vld.idx.msk [tilespmem:v19+s3+$0x0], $0xffff;
	v19 =	vand.u32 $0x7F, v6  }
0x76: {  	v15 =	vor.u32 v23, v15;
	v7 =	vadd.s32 v1, v29;
	v6 =	vand.u32 $0x7F, v4;
	v5 =	vld.idx.msk [tilespmem:v20+s3+$0x0], $0xffff  }
0x77: {  	s31 =	sadd.s32 $0x80, s31;
	v1 =	vor.u32 v24, v14;
	v14 =	vor.u32 v25, v18;
	v8 =	vor.u32 v19, v22;
	v4 =	vld.idx.msk [tilespmem:v21+s3+$0x0], $0xffff  }
0x78: {  	_ =	sdelay $0x2  }
0x79: {  	v12 =	vor.u32 v16, v12  }
0x7a: {  	v13 =	vor.u32 v17, v13;
	[tilespmem:v15+s17+$0x0] =	vst.idx.msk $0xffff, v10  }
0x7b: {  	v9 =	vld.idx.msk [tilespmem:v9+s3+$0x0], $0xffff;
	[tilespmem:v1+s17+$0x0] =	vst.idx.msk $0xffff, v11;
	v1 =	vor.u32 v6, v7  }
0x7c: {  	[tilespmem:v14+s17+$0x0] =	vst.idx.msk $0xffff, v2  }
0x7d: {  	[tilespmem:v8+s17+$0x0] =	vst.idx.msk $0xffff, v3  }
0x7e: {  	[tilespmem:v12+s17+$0x0] =	vst.idx.msk $0xffff, v5  }
0x7f: {  	[tilespmem:v13+s17+$0x0] =	vst.idx.msk $0xffff, v4  }
0x80: {  	[tilespmem:v1+s17+$0x0] =	vst.idx.msk $0xffff, v9  }
.LBB2_5:
0x81: {  	v1 =	vor.u32 s29, v0  }
0x82: {  	v2 =	vmulhi.u32 $0xB21642C9, v1;
	_ =	sdelay $0x1  }
0x83: {  	v2 =	vshrl.u32 v2, $0x5;
	_ =	sdelay $0x4  }
0x84: {  	v3 =	vld.idx.msk [tilespmem:v2+s12+$0x0], $0xffff;
	_ =	sdelay $0x1  }
0x85: {  	v4 =	vmul.u32 $0xFFFFFFD2, v2;
	_ =	sdelay $0x1  }
0x86: {  	v1 =	vadd.s32 v1, v4  }
0x87: {  	v3 =	vsub.s32 v1, v3  }
0x88: {  	vm0 =	vlt.s32 v3, $0x0;
	v62 =	vadd.s32 $0x2E, v3  }
0x89: {  	v3 =	vsel vm0, v62, v3  }
0x8a: {  	v2 =	vshll.u32 v2, $0x7;
	v4 =	vand.u32 $0xFFFFFF80, v3  }
0x8b: {  	v3 =	vand.u32 $0x7F, v3;
	v4 =	vadd.s32 v2, v4  }
0x8c: {  	v3 =	vor.u32 v3, v4;
	_ =	sdelay $0x2  }
0x8d: {  	v63 =	vand.u32 $0xFFFFFF80, v1  }
0x8e: {  	v1 =	vand.u32 $0x7F, v1;
	v2 =	vadd.s32 v2, v63  }
0x8f: {  	p1 =	sne.s32 s29, $0x23E0;
	v1 =	vor.u32 v1, v2;
	v3 =	vld.idx.msk [tilespmem:v3+s3+$0x0], $0xffff  }
.Ltmp1:
0x90: {  	_ = 	snop;
	(pc) =	sbr.rel @p1 .LBB2_5-.Ltmp1, $2  }
0x91: {  	_ =	sdelay $0x2  }
0x92: {  	s29 =	sadd.s32 $0x10, s29;
	[tilespmem:v1+s17+$0x0] =	vst.idx.msk $0xffff, v3  }
0x93: {  	s0 =	sshll.u32 s28, $0x4  }
0x94: {  	p1 =	seq.s32 s24, $0x3F;
	s0 =	sadd.s32 s6, s0  }
0x95: {  	[hbm4b:s0+s3] =	stream.linear.scatter [tilespmem:s17], [sflag:$0x3], $0x6400, $0x38;
	[tilespmem:$0x19200] =	vst v63  }
0x96: {  	s0 =	sadd.s32 @!p1 s26, s10  }
0x97: {  	s29 =	simm.s32 $0x70;
	s30 =	simm.s32 $0x10;
	s1 =	sshll.u32 @!p1 s0, $0x4  }
0x98: {  	s7 =	simm.s32 @!p1 $0x0;
	s0 =	sshrl.u32 @!p1 s0, $0x3;
	s1 =	sadd.s32 @!p1 s5, s1  }
0x99: {  	[tilespmem:s7], [sflag:$0x1] =	stream.linear.gather @!p1 [hbm4b:s1+s7], $0x6400, $0x38;
	[tilespmem:$0x19200] =	vst v63  }
0x9a: {  	s31 =	simm.s32 $0x60;
	v2 =	vor.u32 s29, v0;
	s0 =	sadd.s32 @!p1 s2, s0;
	s1 =	simm.s32 @!p1 $0x19000  }
0x9b: {  	v4 =	vor.u32 s31, v0;
	v1 =	vmulhi.u32 $0xB21642C9, v2;
	[tilespmem:s1], [sflag:$0x5] =	stream.linear.gather @!p1 [hbm4b:s0+s7], $0xC8, $0x38;
	[tilespmem:$0x19200] =	vst v63  }
0x9c: {  	v3 =	vor.u32 s30, v0;
	s29 =	simm.s32 $0x0;
	v7 =	vmulhi.u32 $0xB21642C9, v4;
	_ =	swait.ge [sflag:s18], $0x6400  }
0x9d: {  	s30 =	simm.s32 $0x40;
	v8 =	vor.u32 s29, v0;
	v13 =	vmulhi.u32 $0xB21642C9, v3;
	[sflag:s18] =	ssyncset.done $0x0  }
0x9e: {  	s31 =	simm.s32 $0x50;
	s26 =	simm.s32 $0x30;
	v9 =	vor.u32 s30, v0;
	v11 =	vmulhi.u32 $0xB21642C9, v8;
	[sflag:s18] =	ssyncadd.s32 $0xFFFF9C00  }
0x9f: {  	v10 =	vor.u32 s31, v0;
	v6 =	vor.u32 s26, v0;
	v19 =	vmulhi.u32 $0xB21642C9, v9;
	_ =	swait.ge [sflag:s19], $0xC8  }
0xa0: {  	v21 =	vmulhi.u32 $0xB21642C9, v10;
	v12 =	vshrl.u32 v1, $0x5;
	v7 =	vshrl.u32 v7, $0x5;
	s1 =	simm.s32 $0x20;
	[sflag:s19] =	ssyncset.done $0x0  }
0xa1: {  	v13 =	vshrl.u32 v13, $0x5;
	v17 =	vmulhi.u32 $0xB21642C9, v6;
	s0 =	simm.s32 @!p0 $0x4;
	v5 =	vor.u32 s1, v0;
	[sflag:s19] =	ssyncadd.s32 $0xFFFFFF38  }
0xa2: {  	v14 =	vmul.u32 $0xFFFFFFD2, v12;
	v11 =	vshrl.u32 v11, $0x5;
	v15 =	vmulhi.u32 $0xB21642C9, v5;
	_ =	swait.ge @!p0 [sflag:s0], $0x6400  }
0xa3: {  	v1 =	vshll.u32 v12, $0x7;
	v18 =	vmul.u32 $0xFFFFFFD2, v13;
	v21 =	vshrl.u32 v21, $0x5;
	[sflag:s0] =	ssyncset.done @!p0 $0x0  }
0xa4: {  	v24 =	vmul.u32 $0xFFFFFFD2, v7;
	v16 =	vmul.u32 $0xFFFFFFD2, v11;
	v15 =	vshrl.u32 v15, $0x5;
	[sflag:s0] =	ssyncadd.s32 @!p0 $0xFFFF9C00  }
0xa5: {  	v19 =	vshrl.u32 v19, $0x5;
	v17 =	vshrl.u32 v17, $0x5;
	v44 =	vmul.u32 $0xFFFFFFD2, v21;
	v22 =	vld.idx.msk [tilespmem:v7+s14+$0x0], $0xffff  }
0xa6: {  	v4 =	vadd.s32 v4, v24;
	v8 =	vadd.s32 v8, v16;
	v16 =	vmul.u32 $0xFFFFFFD2, v17;
	v12 =	vld.idx.msk [tilespmem:v12+s14+$0x0], $0xffff  }
0xa7: {  	v3 =	vadd.s32 v3, v18;
	v18 =	vmul.u32 $0xFFFFFFD2, v19;
	v30 =	vand.u32 $0xFFFFFF80, v4;
	v23 =	vld.idx.msk [tilespmem:v11+s14+$0x0], $0xffff  }
0xa8: {  	v55 =	vand.u32 $0xFFFFFF80, v3;
	v6 =	vadd.s32 v6, v16;
	v20 =	vmul.u32 $0xFFFFFFD2, v15;
	v25 =	vld.idx.msk [tilespmem:v13+s14+$0x0], $0xffff  }
0xa9: {  	v16 =	vadd.s32 v9, v18;
	v18 =	vadd.s32 v2, v14;
	v57 =	vand.u32 $0xFFFFFF80, v6;
	v2 =	vld.idx.msk [tilespmem:v15+s14+$0x0], $0xffff  }
0xaa: {  	v58 =	vand.u32 $0xFFFFFF80, v16;
	v31 =	vand.u32 $0xFFFFFF80, v18;
	v5 =	vadd.s32 v5, v20;
	v9 =	vld.idx.msk [tilespmem:v17+s14+$0x0], $0xffff  }
0xab: {  	v14 =	vshll.u32 v15, $0x7;
	v20 =	vadd.s32 v10, v44;
	v56 =	vand.u32 $0xFFFFFF80, v5;
	v15 =	vld.idx.msk [tilespmem:v19+s14+$0x0], $0xffff  }
0xac: {  	v59 =	vand.u32 $0xFFFFFF80, v20;
	v63 =	vand.u32 $0x7F, v5;
	v11 =	vshll.u32 v11, $0x7;
	v45 =	vld.idx.msk [tilespmem:v21+s14+$0x0], $0xffff  }
0xad: {  	v13 =	vshll.u32 v13, $0x7;
	v7 =	vshll.u32 v7, $0x7;
	v17 =	vshll.u32 v17, $0x7  }
0xae: {  	v19 =	vshll.u32 v19, $0x7;
	v21 =	vshll.u32 v21, $0x7;
	v10 =	vsub.s32 v4, v22  }
0xaf: {  	v12 =	vsub.s32 v18, v12;
	v23 =	vsub.s32 v8, v23;
	v46 =	vsub.s32 v3, v25  }
0xb0: {  	v2 =	vsub.s32 v5, v2;
	v9 =	vsub.s32 v6, v9;
	v15 =	vsub.s32 v16, v15  }
0xb1: {  	v24 =	vsub.s32 v20, v45;
	v4 =	vand.u32 $0x7F, v4;
	vm0 =	vlt.s32 v10, $0x0  }
0xb2: {  	v22 =	vadd.s32 $0x2E, v10;
	vm15 =	vlt.s32 v12, $0x0;
	vm1 =	vlt.s32 v23, $0x0  }
0xb3: {  	v48 =	vadd.s32 $0x2E, v23;
	vm2 =	vlt.s32 v46, $0x0;
	v26 =	vadd.s32 $0x2E, v46  }
0xb4: {  	vm3 =	vlt.s32 v2, $0x0;
	v27 =	vadd.s32 $0x2E, v2;
	vm4 =	vlt.s32 v9, $0x0  }
0xb5: {  	v28 =	vadd.s32 $0x2E, v9;
	vm5 =	vlt.s32 v15, $0x0;
	v29 =	vadd.s32 $0x2E, v15  }
0xb6: {  	vm6 =	vlt.s32 v24, $0x0;
	v49 =	vadd.s32 $0x2E, v24;
	v10 =	vsel vm0, v22, v10  }
0xb7: {  	v23 =	vsel vm1, v48, v23;
	v22 =	vsel vm2, v26, v46;
	v2 =	vsel vm3, v27, v2  }
0xb8: {  	v9 =	vsel vm4, v28, v9;
	v15 =	vsel vm5, v29, v15;
	v24 =	vsel vm6, v49, v24  }
0xb9: {  	v47 =	vand.u32 $0xFFFFFF80, v10;
	v10 =	vand.u32 $0x7F, v10;
	v26 =	vand.u32 $0xFFFFFF80, v22  }
0xba: {  	v50 =	vand.u32 $0xFFFFFF80, v9;
	v51 =	vand.u32 $0xFFFFFF80, v15;
	v52 =	vand.u32 $0xFFFFFF80, v24  }
0xbb: {  	v22 =	vand.u32 $0x7F, v22;
	v9 =	vand.u32 $0x7F, v9;
	v15 =	vand.u32 $0x7F, v15  }
0xbc: {  	v24 =	vand.u32 $0x7F, v24;
	v25 =	vadd.s32 v7, v47;
	v7 =	vadd.s32 v7, v30  }
0xbd: {  	v26 =	vadd.s32 v13, v26;
	v27 =	vadd.s32 v17, v50;
	v28 =	vadd.s32 v19, v51  }
0xbe: {  	v29 =	vadd.s32 v21, v52;
	v10 =	vor.u32 v10, v25;
	v4 =	vor.u32 v4, v7  }
0xbf: {  	v7 =	vadd.s32 $0x2E, v12;
	v25 =	vand.u32 $0xFFFFFF80, v23;
	v23 =	vand.u32 $0x7F, v23  }
0xc0: {  	v22 =	vor.u32 v22, v26;
	v54 =	vor.u32 v15, v28;
	v7 =	vsel vm15, v7, v12  }
0xc1: {  	v12 =	vand.u32 $0xFFFFFF80, v2;
	v25 =	vadd.s32 v11, v25;
	v2 =	vand.u32 $0x7F, v2  }
0xc2: {  	v53 =	vand.u32 $0xFFFFFF80, v7;
	v12 =	vadd.s32 v14, v12;
	v23 =	vor.u32 v23, v25  }
0xc3: {  	v7 =	vand.u32 $0x7F, v7;
	v30 =	vadd.s32 v1, v53;
	v2 =	vor.u32 v2, v12  }
0xc4: {  	v15 =	vand.u32 $0xFFFFFF80, v8;
	v12 =	vor.u32 v9, v27;
	v9 =	vor.u32 v7, v30;
	v7 =	vld.idx.msk [tilespmem:v10+s13+$0x0], $0xffff  }
0xc5: {  	v61 =	vadd.s32 v14, v56;
	v24 =	vor.u32 v24, v29;
	v15 =	vadd.s32 v11, v15;
	v11 =	vld.idx.msk [tilespmem:v22+s13+$0x0], $0xffff  }
0xc6: {  	v60 =	vadd.s32 v13, v55;
	v62 =	vadd.s32 v17, v57;
	v16 =	vand.u32 $0x7F, v16;
	v5 =	vld.idx.msk [tilespmem:v54+s13+$0x0], $0xffff  }
0xc7: {  	v13 =	vadd.s32 v19, v58;
	v19 =	vand.u32 $0x7F, v3;
	v8 =	vand.u32 $0x7F, v8;
	v10 =	vld.idx.msk [tilespmem:v23+s13+$0x0], $0xffff  }
0xc8: {  	v17 =	vand.u32 $0x7F, v20;
	v14 =	vadd.s32 v21, v59;
	v15 =	vor.u32 v8, v15;
	v2 =	vld.idx.msk [tilespmem:v2+s13+$0x0], $0xffff  }
0xc9: {  	v3 =	vld.idx.msk [tilespmem:v12+s13+$0x0], $0xffff;
	v12 =	vor.u32 v63, v61;
	[tilespmem:v4+s20+$0x0] =	vst.idx.msk $0xffff, v7;
	v4 =	vand.u32 $0x7F, v6;
	v6 =	vand.u32 $0x7F, v18  }
0xca: {  	s28 =	simm.s32 $0xF0;
	s26 =	simm.s32 $0x0;
	v7 =	vadd.s32 v1, v31;
	v1 =	vor.u32 v19, v60;
	v8 =	vor.u32 v4, v62;
	v4 =	vld.idx.msk [tilespmem:v24+s13+$0x0], $0xffff  }
.LBB2_7:
0xcb: {  	s0 =	sadd.s32 $0xFFFFFFA0, s28;
	s1 =	sadd.s32 $0xFFFFFFF0, s28;
	v18 =	vor.u32 s28, v0;
	s26 =	sadd.s32 $0x8, s26;
	v13 =	vor.u32 v16, v13;
	v14 =	vor.u32 v17, v14;
	v9 =	vld.idx.msk [tilespmem:v9+s13+$0x0], $0xffff  }
0xcc: {  	s7 =	sadd.s32 $0xFFFFFFC0, s28;
	v16 =	vor.u32 s0, v0;
	s0 =	sadd.s32 $0xFFFFFFB0, s28;
	v17 =	vor.u32 s1, v0;
	v19 =	vmulhi.u32 $0xB21642C9, v18;
	p0 =	slt.u32 s26, $0x230  }
0xcd: {  	s1 =	sadd.s32 $0xFFFFFF90, s28;
	v21 =	vor.u32 s7, v0;
	s7 =	sadd.s32 $0xFFFFFFE0, s28;
	v20 =	vor.u32 s0, v0;
	s0 =	sadd.s32 $0xFFFFFFD0, s28;
	v22 =	vmulhi.u32 $0xB21642C9, v17  }
0xce: {  	v23 =	vor.u32 s1, v0;
	v25 =	vor.u32 s7, v0;
	v24 =	vor.u32 s0, v0;
	[tilespmem:v15+s20+$0x0] =	vst.idx.msk $0xffff, v10  }
0xcf: {  	v10 =	vmulhi.u32 $0xB21642C9, v23;
	v19 =	vshrl.u32 v19, $0x5;
	v15 =	vshrl.u32 v22, $0x5;
	[tilespmem:v1+s20+$0x0] =	vst.idx.msk $0xffff, v11  }
0xd0: {  	v11 =	vmulhi.u32 $0xB21642C9, v16;
	v22 =	vmul.u32 $0xFFFFFFD2, v19;
	v1 =	vshll.u32 v19, $0x7;
	[tilespmem:v12+s20+$0x0] =	vst.idx.msk $0xffff, v2  }
0xd1: {  	v6 =	vor.u32 v6, v7;
	v10 =	vshrl.u32 v10, $0x5;
	v2 =	vmulhi.u32 $0xB21642C9, v20;
	[tilespmem:v8+s20+$0x0] =	vst.idx.msk $0xffff, v3  }
0xd2: {  	v7 =	vmulhi.u32 $0xB21642C9, v21;
	v3 =	vmul.u32 $0xFFFFFFD2, v10;
	v11 =	vshrl.u32 v11, $0x5;
	[tilespmem:v13+s20+$0x0] =	vst.idx.msk $0xffff, v5  }
0xd3: {  	v8 =	vmulhi.u32 $0xB21642C9, v24;
	v5 =	vmul.u32 $0xFFFFFFD2, v11;
	v12 =	vshrl.u32 v2, $0x5;
	[tilespmem:v14+s20+$0x0] =	vst.idx.msk $0xffff, v4  }
0xd4: {  	v13 =	vshrl.u32 v7, $0x5;
	v7 =	vmulhi.u32 $0xB21642C9, v25;
	v4 =	vmul.u32 $0xFFFFFFD2, v12;
	v14 =	vld.idx.msk [tilespmem:v15+s14+$0x0], $0xffff  }
0xd5: {  	v2 =	vadd.s32 v23, v3;
	v23 =	vmul.u32 $0xFFFFFFD2, v13;
	v26 =	vshrl.u32 v8, $0x5;
	v19 =	vld.idx.msk [tilespmem:v19+s14+$0x0], $0xffff  }
0xd6: {  	v3 =	vadd.s32 v16, v5;
	v8 =	vmul.u32 $0xFFFFFFD2, v26;
	v16 =	vshrl.u32 v7, $0x5;
	v27 =	vld.idx.msk [tilespmem:v10+s14+$0x0], $0xffff;
	[tilespmem:v6+s20+$0x0] =	vst.idx.msk $0xffff, v9  }
0xd7: {  	v28 =	vmul.u32 $0xFFFFFFD2, v15;
	v5 =	vadd.s32 v20, v4;
	v20 =	vmul.u32 $0xFFFFFFD2, v16;
	v9 =	vld.idx.msk [tilespmem:v11+s14+$0x0], $0xffff  }
0xd8: {  	v4 =	vadd.s32 v18, v22;
	v6 =	vadd.s32 v21, v23;
	v7 =	vadd.s32 v24, v8;
	v29 =	vld.idx.msk [tilespmem:v12+s14+$0x0], $0xffff  }
0xd9: {  	v17 =	vadd.s32 v17, v28;
	v18 =	vshll.u32 v10, $0x7;
	v8 =	vadd.s32 v25, v20;
	v10 =	vld.idx.msk [tilespmem:v13+s14+$0x0], $0xffff  }
0xda: {  	v11 =	vshll.u32 v11, $0x7;
	v12 =	vshll.u32 v12, $0x7;
	v14 =	vsub.s32 v17, v14;
	v20 =	vld.idx.msk [tilespmem:v26+s14+$0x0], $0xffff  }
0xdb: {  	vm0 =	vlt.s32 v14, $0x0;
	v22 =	vadd.s32 $0x2E, v14;
	v19 =	vsub.s32 v4, v19;
	v21 =	vld.idx.msk [tilespmem:v16+s14+$0x0], $0xffff  }
0xdc: {  	v23 =	vsub.s32 v2, v27;
	v14 =	vsel vm0, v22, v14;
	vm0 =	vlt.s32 v19, $0x0  }
0xdd: {  	v15 =	vshll.u32 v15, $0x7;
	v9 =	vsub.s32 v3, v9;
	v22 =	vand.u32 $0xFFFFFF80, v14  }
0xde: {  	v14 =	vand.u32 $0x7F, v14;
	v24 =	vsub.s32 v5, v29;
	v22 =	vadd.s32 v15, v22  }
0xdf: {  	vm1 =	vlt.s32 v23, $0x0;
	v10 =	vsub.s32 v6, v10;
	v14 =	vor.u32 v14, v22  }
0xe0: {  	vm2 =	vlt.s32 v9, $0x0;
	v22 =	vadd.s32 $0x2E, v23;
	v20 =	vsub.s32 v7, v20  }
0xe1: {  	v25 =	vadd.s32 $0x2E, v9;
	vm3 =	vlt.s32 v24, $0x0;
	v21 =	vsub.s32 v8, v21  }
0xe2: {  	v27 =	vadd.s32 $0x2E, v24;
	vm4 =	vlt.s32 v10, $0x0;
	v28 =	vadd.s32 $0x2E, v10  }
0xe3: {  	v30 =	vand.u32 $0xFFFFFF80, v17;
	vm5 =	vlt.s32 v20, $0x0;
	v29 =	vadd.s32 $0x2E, v20  }
0xe4: {  	v17 =	vand.u32 $0x7F, v17;
	v15 =	vadd.s32 v15, v30;
	vm6 =	vlt.s32 v21, $0x0;
	v14 =	vld.idx.msk [tilespmem:v14+s13+$0x0], $0xffff  }
0xe5: {  	v15 =	vor.u32 v17, v15;
	v17 =	vadd.s32 $0x2E, v19;
	v30 =	vadd.s32 $0x2E, v21  }
0xe6: {  	v9 =	vsel vm2, v25, v9;
	v22 =	vsel vm1, v22, v23;
	v23 =	vsel vm3, v27, v24  }
0xe7: {  	v10 =	vsel vm4, v28, v10;
	v20 =	vsel vm5, v29, v20;
	v21 =	vsel vm6, v30, v21  }
0xe8: {  	v25 =	vand.u32 $0xFFFFFF80, v9;
	v17 =	vsel vm0, v17, v19;
	v24 =	vand.u32 $0xFFFFFF80, v22  }
0xe9: {  	v19 =	vand.u32 $0xFFFFFF80, v23;
	v27 =	vand.u32 $0xFFFFFF80, v10;
	v28 =	vand.u32 $0xFFFFFF80, v20  }
0xea: {  	s29 =	simm.s32 $0x2380;
	v13 =	vshll.u32 v13, $0x7;
	v29 =	vand.u32 $0xFFFFFF80, v21;
	[tilespmem:v15+s20+$0x0] =	vst.idx.msk $0xffff, v14;
	v14 =	vand.u32 $0xFFFFFF80, v17  }
0xeb: {  	v16 =	vshll.u32 v16, $0x7;
	v15 =	vadd.s32 v18, v24;
	v24 =	vshll.u32 v26, $0x7  }
0xec: {  	v25 =	vadd.s32 v11, v25;
	v19 =	vadd.s32 v12, v19;
	v26 =	vadd.s32 v13, v27  }
0xed: {  	v22 =	vand.u32 $0x7F, v22;
	v27 =	vadd.s32 v24, v28;
	v28 =	vadd.s32 v16, v29  }
0xee: {  	v9 =	vand.u32 $0x7F, v9;
	v23 =	vand.u32 $0x7F, v23;
	v10 =	vand.u32 $0x7F, v10  }
0xef: {  	v20 =	vand.u32 $0x7F, v20;
	v21 =	vand.u32 $0x7F, v21;
	v14 =	vadd.s32 v1, v14  }
0xf0: {  	v15 =	vor.u32 v22, v15;
	v22 =	vor.u32 v9, v25;
	v9 =	vand.u32 $0x7F, v17  }
0xf1: {  	v17 =	vor.u32 v23, v19;
	v19 =	vor.u32 v10, v26;
	v20 =	vor.u32 v20, v27  }
0xf2: {  	v23 =	vand.u32 $0xFFFFFF80, v2;
	v21 =	vor.u32 v21, v28;
	v9 =	vor.u32 v9, v14  }
0xf3: {  	v25 =	vand.u32 $0xFFFFFF80, v5;
	v26 =	vand.u32 $0xFFFFFF80, v6;
	v14 =	vand.u32 $0xFFFFFF80, v3  }
0xf4: {  	v29 =	vand.u32 $0xFFFFFF80, v4;
	v27 =	vand.u32 $0xFFFFFF80, v7;
	v28 =	vand.u32 $0xFFFFFF80, v8  }
0xf5: {  	v12 =	vadd.s32 v12, v25;
	v10 =	vld.idx.msk [tilespmem:v15+s13+$0x0], $0xffff;
	v15 =	vadd.s32 v18, v23;
	v18 =	vadd.s32 v11, v14  }
.Ltmp2:
0xf6: {  	v14 =	vadd.s32 v16, v28;
	v11 =	vld.idx.msk [tilespmem:v22+s13+$0x0], $0xffff;
	v22 =	vadd.s32 v13, v26;
	v13 =	vadd.s32 v24, v27;
	(pc) =	sbr.rel @p0 .LBB2_7-.Ltmp2, $4  }
0xf7: {  	v25 =	vand.u32 $0x7F, v5;
	v23 =	vand.u32 $0x7F, v2;
	v24 =	vand.u32 $0x7F, v3;
	v2 =	vld.idx.msk [tilespmem:v17+s13+$0x0], $0xffff  }
0xf8: {  	v16 =	vand.u32 $0x7F, v7;
	v17 =	vand.u32 $0x7F, v8;
	v3 =	vld.idx.msk [tilespmem:v19+s13+$0x0], $0xffff;
	v19 =	vand.u32 $0x7F, v6  }
0xf9: {  	v7 =	vadd.s32 v1, v29;
	v15 =	vor.u32 v23, v15;
	v6 =	vand.u32 $0x7F, v4;
	v5 =	vld.idx.msk [tilespmem:v20+s13+$0x0], $0xffff  }
0xfa: {  	s28 =	sadd.s32 $0x80, s28;
	v12 =	vor.u32 v25, v12;
	v1 =	vor.u32 v24, v18;
	v8 =	vor.u32 v19, v22;
	v4 =	vld.idx.msk [tilespmem:v21+s13+$0x0], $0xffff  }
0xfb: {  	_ =	sdelay $0x2  }
0xfc: {  	v13 =	vor.u32 v16, v13  }
0xfd: {  	v14 =	vor.u32 v17, v14;
	[tilespmem:v15+s20+$0x0] =	vst.idx.msk $0xffff, v10  }
0xfe: {  	v9 =	vld.idx.msk [tilespmem:v9+s13+$0x0], $0xffff;
	[tilespmem:v1+s20+$0x0] =	vst.idx.msk $0xffff, v11;
	v1 =	vor.u32 v6, v7  }
0xff: {  	[tilespmem:v12+s20+$0x0] =	vst.idx.msk $0xffff, v2  }
0x100: {  	[tilespmem:v8+s20+$0x0] =	vst.idx.msk $0xffff, v3  }
0x101: {  	[tilespmem:v13+s20+$0x0] =	vst.idx.msk $0xffff, v5  }
0x102: {  	[tilespmem:v14+s20+$0x0] =	vst.idx.msk $0xffff, v4  }
0x103: {  	[tilespmem:v1+s20+$0x0] =	vst.idx.msk $0xffff, v9  }
.LBB2_9:
0x104: {  	v1 =	vor.u32 s29, v0  }
0x105: {  	v2 =	vmulhi.u32 $0xB21642C9, v1;
	_ =	sdelay $0x1  }
0x106: {  	v2 =	vshrl.u32 v2, $0x5;
	_ =	sdelay $0x4  }
0x107: {  	v3 =	vld.idx.msk [tilespmem:v2+s14+$0x0], $0xffff;
	_ =	sdelay $0x1  }
0x108: {  	v4 =	vmul.u32 $0xFFFFFFD2, v2;
	_ =	sdelay $0x1  }
0x109: {  	v1 =	vadd.s32 v1, v4  }
0x10a: {  	v3 =	vsub.s32 v1, v3  }
0x10b: {  	vm0 =	vlt.s32 v3, $0x0;
	v62 =	vadd.s32 $0x2E, v3  }
0x10c: {  	v3 =	vsel vm0, v62, v3  }
0x10d: {  	v2 =	vshll.u32 v2, $0x7;
	v4 =	vand.u32 $0xFFFFFF80, v3  }
0x10e: {  	v3 =	vand.u32 $0x7F, v3;
	v4 =	vadd.s32 v2, v4  }
0x10f: {  	v3 =	vor.u32 v3, v4;
	_ =	sdelay $0x2  }
0x110: {  	v63 =	vand.u32 $0xFFFFFF80, v1  }
0x111: {  	v1 =	vand.u32 $0x7F, v1;
	v2 =	vadd.s32 v2, v63  }
0x112: {  	p0 =	sne.s32 s29, $0x23E0;
	v1 =	vor.u32 v1, v2;
	v3 =	vld.idx.msk [tilespmem:v3+s13+$0x0], $0xffff  }
.Ltmp3:
0x113: {  	_ = 	snop;
	(pc) =	sbr.rel @p0 .LBB2_9-.Ltmp3, $2  }
0x114: {  	_ =	sdelay $0x2  }
0x115: {  	s29 =	sadd.s32 $0x10, s29;
	[tilespmem:v1+s20+$0x0] =	vst.idx.msk $0xffff, v3  }
0x116: {  	s24 =	sadd.s32 $0x1, s24  }
0x117: {  	p0 =	sne.s32 s24, $0x40  }
.Ltmp4:
0x118: {  	_ = 	snop;
	(pc) =	sbr.rel @p0 .LBB2_2-.Ltmp4, $3  }
0x119: {  	_ =	sdelay $0x1  }
0x11a: {  	s0 =	sadd.s32 s6, s25  }
0x11b: {  	[hbm4b:s0+s3] =	stream.linear.scatter [tilespmem:s20], [sflag:$0x4], $0x6400, $0x38;
	[tilespmem:$0x19200] =	vst v63  }
0x11c: {  	s23 =	sadd.s32 $0x1, s23  }
0x11d: {  	_ =	swait.ge [sflag:s21], $0x6400;
	p0 =	sne.s32 s23, s11  }
.Ltmp5:
0x11e: {  	[sflag:s21] =	ssyncset.done $0x0;
	(pc) =	sbr.rel @p0 .LBB2_1-.Ltmp5, $4  }
0x11f: {  	[sflag:s21] =	ssyncadd.s32 $0xFFFF9C00  }
0x120: {  	_ =	swait.ge [sflag:s22], $0x6400  }
0x121: {  	[sflag:s22] =	ssyncset.done $0x0  }
0x122: {  	[sflag:s22] =	ssyncadd.s32 $0xFFFF9C00  }
0x123: {  	_ =	sfence.sel $0x180000  }
0x124: {  	[bflag:$0x0] =	sbarrier.arrive $0xFFFF  }
0x125: {  	_ =	strace $0x90000047  }
0x126: {  	s0 =	stileid.u32;
	[bflag:$0x2] =	sbarrier.arrive $0xFFFF  }
0x127: {  	p0 =	sne.s32 s0, $0x0;
	s0 =	rddreg [dreg:$0x2]  }
0x128: {  	s0 =	sadd.s32 @!p0 $0x100000, s0  }
0x129: {  	[sflag:s0] =	ssyncadd.tile.s32 @!p0 $0x1;
	_ =	shalt  }
.Lfunc_end2:
_tile_overlayer_lowered:
.L_overlay_start_2:
0x12a: {  	(tag) =	ssettag $0x2  }
0x12b: {  	s0 =	rddreg [dreg:$0x0];
	s2 =	stileid.u32  }
0x12c: {  	s1 =	rddreg [dreg:$0x1];
	p0 =	sne.s32 s2, $0x0  }
0x12d: {  	s3 =	rddreg [dreg:$0x2];
	[bflag:$0x3] =	sbarrier.arrive $0xFFFF;
	s2 =	simm.s32 @!p0 $0x1C07  }
0x12e: {  	[timem:s3], [sflag:s2] =	dma.local @!p0 [hbm:s0], s1  }
0x12f: {  	s0 =	simm.s32 @!p0 $0x7  }
0x130: {  	_ =	swait.ge @!p0 [sflag:s0], s1  }
0x131: {  	s1 =	ssub.s32 @!p0 $0x0, s1;
	[sflag:s0] =	ssyncset.done @!p0 $0x0  }
0x132: {  	[sflag:s0] =	ssyncadd.s32 @!p0 s1  }
0x133: {  	[bflag:$0x3] =	sbarrier.arrive $0xFFFF  }
0x134: {  	_ =	shalt  }

</sc_bundles>
